<compile_context>
chip_gen: v7x
topology: tpu7x:2x2x1
jax: 0.10.2.dev20260603
libtpu: 0.0.44.dev20260713+nightly
codegen_flags: <defaults>
</compile_context>

<pallas_src>
import functools

import jax
import jax.numpy as jnp
from jax import lax
from jax.experimental import pallas as pl
from jax.experimental.pallas import tpu as pltpu
from jax.experimental.pallas import tpu_sc as plsc

MAXD = 20
L = 16
NCORES = 2
NSUB = 16
NW = NCORES * NSUB
BLK = 12800
ZCH = 16384
CAP = 24576
DCH = 128


@functools.partial(jax.jit, static_argnums=(0, 1, 2, 3, 4))
def _scatter_call(N, Pp, blk, zch, cap, src, dst, pln, bpad):
    rows = -(-N // NW)
    nblk = Pp // blk
    mesh = plsc.VectorSubcoreMesh(
        core_axis_name="c", subcore_axis_name="s",
        num_cores=NCORES, num_subcores=NSUB)

    @functools.partial(
        pl.kernel,
        out_type=jax.ShapeDtypeStruct((N * N,), jnp.float32),
        mesh=mesh,
        compiler_params=pltpu.CompilerParams(needs_layout_passes=False),
        scratch_types=[
            pltpu.VMEM((blk,), jnp.int32),
            pltpu.VMEM((blk,), jnp.int32),
            pltpu.VMEM((blk,), jnp.int32),
            pltpu.VMEM((32,), jnp.float32),
            pltpu.VMEM((zch,), jnp.float32),
            pltpu.VMEM((cap + DCH,), jnp.int32),
            pltpu.VMEM((cap + DCH,), jnp.float32),
            pltpu.VMEM((DCH,), jnp.int32),
            pltpu.VMEM((DCH,), jnp.float32),
            pltpu.SemaphoreType.DMA,
            pltpu.SemaphoreType.DMA,
            pltpu.SemaphoreType.DMA,
        ],
    )
    def k(src_h, dst_h, pln_h, b_h, out_h,
          src_v, dst_v, pln_v, b_v, zero_v, flat_st, val_st,
          idx_b, val_b, zsem, isem, ssem):
        wid = lax.axis_index("s") * NCORES + lax.axis_index("c")
        lo = jnp.minimum(wid * rows, N)
        hi = jnp.minimum(lo + rows, N)
        flo = lo * N
        fhi = hi * N

        z16 = jnp.zeros((L,), jnp.float32)

        def zv_body(i, _):
            zero_v[pl.ds(i * L, L)] = z16
            return 0
        lax.fori_loop(0, zch // L, zv_body, 0)

        nz = (fhi - flo + zch - 1) // zch

        def zi_body(i, _):
            off = jnp.minimum(flo + i * zch, fhi - zch)
            pltpu.make_async_copy(zero_v, out_h.at[pl.ds(off, zch)],
                                  zsem).start()
            return 0
        lax.fori_loop(0, nz, zi_body, 0)

        pltpu.sync_copy(b_h, b_v)

        def drain_zeros():
            def zw_body(i, _):
                pltpu.make_async_copy(zero_v, out_h.at[pl.ds(flo, zch)],
                                      zsem).wait()
                return 0
            lax.fori_loop(0, nz, zw_body, 0)

        def fire(off):
            for kk in range(DCH // L):
                idx_b[pl.ds(kk * L, L)] = flat_st[pl.ds(off + kk * L, L)]
                val_b[pl.ds(kk * L, L)] = val_st[pl.ds(off + kk * L, L)]
            cp = pltpu.make_async_copy(val_b, out_h.at[idx_b], ssem)
            cp.start()
            cp.wait()

        def blk_body(ib, carry):
            cnt, drained = carry
            base = ib * blk
            c1 = pltpu.make_async_copy(src_h.at[pl.ds(base, blk)], src_v, isem)
            c2 = pltpu.make_async_copy(dst_h.at[pl.ds(base, blk)], dst_v, isem)
            c3 = pltpu.make_async_copy(pln_h.at[pl.ds(base, blk)], pln_v, isem)
            c1.start(); c2.start(); c3.start()
            c1.wait(); c2.wait(); c3.wait()

            def ch_body(j, carry):
                cnt, drained = carry
                o = j * L
                s = src_v[pl.ds(o, L)]
                d = dst_v[pl.ds(o, L)]
                p = pln_v[pl.ds(o, L)]
                flat = s * N + d
                m = (flat >= flo) & (flat < fhi)
                bi = jnp.minimum(p, MAXD) - 1
                v = plsc.load_gather(b_v, [bi])
                plsc.store_compressed(flat_st.at[pl.ds(cnt, L)], flat, mask=m)
                plsc.store_compressed(val_st.at[pl.ds(cnt, L)], v, mask=m)
                cnt = cnt + jnp.sum(m.astype(jnp.int32))

                def do_flush(carry):
                    c, drained = carry

                    @pl.when(drained == 0)
                    def _():
                        drain_zeros()
                    nfull = c // DCH

                    def fb(jj, _):
                        fire(jj * DCH)
                        return 0
                    lax.fori_loop(0, nfull, fb, 0)
                    rem = c - nfull * DCH
                    for kk in range(DCH // L):
                        flat_st[pl.ds(kk * L, L)] = (
                            flat_st[pl.ds(nfull * DCH + kk * L, L)])
                        val_st[pl.ds(kk * L, L)] = (
                            val_st[pl.ds(nfull * DCH + kk * L, L)])
                    return (rem, jnp.int32(1))

                return lax.cond(cnt >= cap - L, do_flush, lambda c: c,
                                (cnt, drained))

            return lax.fori_loop(0, blk // L, ch_body, (cnt, drained))

        cnt, drained = lax.fori_loop(0, nblk, blk_body,
                                     (jnp.int32(0), jnp.int32(0)))

        @pl.when(drained == 0)
        def _():
            drain_zeros()

        @pl.when(cnt > 0)
        def _():
            al = ((cnt - 1) // L) * L
            pos = (cnt - 1) - al
            lsel = lax.iota(jnp.int32, L) == pos
            last_f = jnp.sum(jnp.where(lsel, flat_st[pl.ds(al, L)], 0))
            last_v = jnp.sum(jnp.where(lsel, val_st[pl.ds(al, L)],
                                       jnp.float32(0)))
            ones = lax.iota(jnp.int32, L) >= 0
            for kk in range(DCH // L):
                plsc.store_compressed(
                    flat_st.at[pl.ds(cnt + kk * L, L)],
                    jnp.full((L,), last_f, jnp.int32), mask=ones)
                plsc.store_compressed(
                    val_st.at[pl.ds(cnt + kk * L, L)],
                    jnp.full((L,), last_v, jnp.float32), mask=ones)
            nfull = (cnt + DCH - 1) // DCH

            def fb(jj, _):
                fire(jj * DCH)
                return 0
            lax.fori_loop(0, nfull, fb, 0)

    return k(src, dst, pln, bpad)


def kernel(x, src_idx, dst_idx, path_len, b):
    N = x.shape[0]
    P = src_idx.shape[0]
    src = jnp.asarray(src_idx, jnp.int32)
    dst = jnp.asarray(dst_idx, jnp.int32)
    pln = jnp.asarray(path_len, jnp.int32)
    Pp = -(-P // BLK) * BLK
    if Pp != P:
        pad = Pp - P
        src = jnp.concatenate([src, jnp.full((pad,), N, jnp.int32)])
        dst = jnp.concatenate([dst, jnp.zeros((pad,), jnp.int32)])
        pln = jnp.concatenate([pln, jnp.ones((pad,), jnp.int32)])
    bpad = jnp.zeros((32,), jnp.float32).at[:MAXD].set(
        b.astype(jnp.float32))
    out = _scatter_call(N, Pp, BLK, ZCH, CAP, src, dst, pln, bpad)
    return out.reshape(N, N).astype(x.dtype)

# --- scband reference (transcript-rebuilt; emitter-appended) ---
"""Pipeline reference for scband-spatial-encoding-76433237999805 (READ-ONLY COPY).

The authoritative reference and input builder live on the scoring server;
editing this copy changes nothing except your own understanding.
"""

import jax, jax.numpy as jnp
import numpy as np

MAX_PATH_DISTANCE = 20

def setup_inputs(seed: int = 0) -> dict:
    key = jax.random.key(seed)
    k1, k2, k3, k4, k5 = jax.random.split(key, 5)
    N = 10000
    P = 640000
    x = jax.random.normal(k1, (N, 128), dtype=jnp.float32)
    src_idx = jax.random.randint(k2, (P,), 0, N, dtype=jnp.int64)
    dst_idx = jax.random.randint(k3, (P,), 0, N, dtype=jnp.int64)
    # path lengths are >= 1 in the original dict-of-paths representation
    path_len = jax.random.randint(k4, (P,), 1, MAX_PATH_DISTANCE + 1, dtype=jnp.int64)
    b = jax.random.normal(k5, (MAX_PATH_DISTANCE,), dtype=jnp.float32)
    return {"x": x, "src_idx": src_idx, "dst_idx": dst_idx, "path_len": path_len, "b": b}

def reference(x, src_idx, dst_idx, path_len, b):
    # spatial_matrix[src, dst] = b[min(len(paths[src][dst]), max_path_distance) - 1]
    idx = jnp.minimum(path_len, MAX_PATH_DISTANCE) - 1
    vals = jnp.take(b, idx)
    N = x.shape[0]
    spatial_matrix = jnp.zeros((N, N), dtype=x.dtype).at[src_idx, dst_idx].set(vals)
    return spatial_matrix

if __name__ == "__main__":
    import jax
    _d = setup_inputs()
    print(jax.jit(kernel)(*tuple(_d.values())))

</pallas_src>

<mosaic_0001>
#map = affine_map<(d0, d1) -> (0)>
module attributes {stable_mosaic.version = 14 : i64} {
  func.func @k(%arg0: i32, %arg1: i32, %arg2: memref<640000xi32, #tpu.memory_space<hbm>>, %arg3: memref<640000xi32, #tpu.memory_space<hbm>>, %arg4: memref<640000xi32, #tpu.memory_space<hbm>>, %arg5: memref<32xf32, #tpu.memory_space<hbm>>, %arg6: memref<100000000xf32, #tpu.memory_space<hbm>>, %arg7: memref<12800xi32, #tpu.memory_space<vmem>>, %arg8: memref<12800xi32, #tpu.memory_space<vmem>>, %arg9: memref<12800xi32, #tpu.memory_space<vmem>>, %arg10: memref<32xf32, #tpu.memory_space<vmem>>, %arg11: memref<16384xf32, #tpu.memory_space<vmem>>, %arg12: memref<24704xi32, #tpu.memory_space<vmem>>, %arg13: memref<24704xf32, #tpu.memory_space<vmem>>, %arg14: memref<128xi32, #tpu.memory_space<vmem>>, %arg15: memref<128xf32, #tpu.memory_space<vmem>>, %arg16: memref<!tpu.dma_semaphore, #tpu.memory_space<semaphore_mem>>, %arg17: memref<!tpu.dma_semaphore, #tpu.memory_space<semaphore_mem>>, %arg18: memref<!tpu.dma_semaphore, #tpu.memory_space<semaphore_mem>>) attributes {dimension_semantics = [#tpu.dimension_semantics<core_parallel>, #tpu.dimension_semantics<subcore_parallel>], iteration_bounds = array<i64: 2, 16>, scalar_prefetch = 0 : i64, scratch_operands = 12 : i64, tpu.core_type = #tpu.core_type<sc_vector_subcore>, window_params = [{transform_indices = #map}, {transform_indices = #map}, {transform_indices = #map}, {transform_indices = #map}, {transform_indices = #map}]} {
    %mul3A = arith.constant 2 : i32
    %mul3A_0 = arith.muli %arg1, %mul3A : i32
    %add3A = arith.addi %mul3A_0, %arg0 : i32
    %mul3A_1 = arith.constant 313 : i32
    %mul3A_2 = arith.muli %add3A, %mul3A_1 : i32
    %min3A = arith.constant 10000 : i32
    %min3A_3 = arith.minsi %mul3A_2, %min3A : i32
    %add3A_4 = arith.constant 313 : i32
    %add3A_5 = arith.addi %min3A_3, %add3A_4 : i32
    %min3A_6 = arith.constant 10000 : i32
    %min3A_7 = arith.minsi %add3A_5, %min3A_6 : i32
    %mul3A_8 = arith.constant 10000 : i32
    %mul3A_9 = arith.muli %min3A_3, %mul3A_8 : i32
    %mul3A_10 = arith.constant 10000 : i32
    %mul3A_11 = arith.muli %min3A_7, %mul3A_10 : i32
    %broadcast_in_dim3A = arith.constant 0.000000e+00 : f32
    %broadcast_in_dim3A_12 = vector.broadcast %broadcast_in_dim3A : f32 to vector<16xf32>
    %scan3A = arith.constant 0 : i32
    %scan3A_13 = arith.constant 0 : i32
    %scan3A_14 = arith.constant 1024 : i32
    %scan3A_15 = arith.addi %scan3A_13, %scan3A_14 : i32
    %scan3A_16 = arith.constant 1 : i32
    %scan3A_17 = scf.for %scan3A_65 = %scan3A_13 to %scan3A_15 step %scan3A_16 iter_args(%scan3A_66 = %scan3A) -> (i32)  : i32 {
      %mul3A_67 = arith.constant 16 : i32
      %mul3A_68 = arith.muli %scan3A_65, %mul3A_67 : i32
      %swap3A = arith.index_cast %mul3A_68 : i32 to index
      %swap3A_69 = tpu.vector_load %arg11[%swap3A] {strides = array<i32>} : memref<16384xf32, #tpu.memory_space<vmem>>, vector<16xf32>,
      tpu.vector_store %arg11[%swap3A], %broadcast_in_dim3A_12 {strides = array<i32>} : memref<16384xf32, #tpu.memory_space<vmem>>, vector<16xf32>,
      %scan3A_70 = arith.constant 0 : i32
      scf.yield %scan3A_70 : i32
    }
    %scan3A_18 = arith.constant 1024 : i32
    %sub3A = arith.subi %mul3A_11, %mul3A_9 : i32
    %add3A_19 = arith.constant 16384 : i32
    %add3A_20 = arith.addi %sub3A, %add3A_19 : i32
    %sub3A_21 = arith.constant 1 : i32
    %sub3A_22 = arith.subi %add3A_20, %sub3A_21 : i32
    %jit3A = arith.constant 16384 : i32
    %div3A = arith.divsi %sub3A_22, %jit3A : i32
    %sign3A = arith.constant 0 : i32
    %sign3A_23 = arith.cmpi sgt, %sub3A_22, %sign3A : i32
    %sign3A_24 = arith.extui %sign3A_23 : i1 to i32
    %sign3A_25 = arith.constant 0 : i32
    %sign3A_26 = arith.cmpi slt, %sub3A_22, %sign3A_25 : i32
    %sign3A_27 = arith.extui %sign3A_26 : i1 to i32
    %sign3A_28 = arith.subi %sign3A_24, %sign3A_27 : i32
    %sign3A_29 = arith.constant 0 : i32
    %sign3A_30 = arith.cmpi sgt, %jit3A, %sign3A_29 : i32
    %sign3A_31 = arith.extui %sign3A_30 : i1 to i32
    %sign3A_32 = arith.constant 0 : i32
    %sign3A_33 = arith.cmpi slt, %jit3A, %sign3A_32 : i32
    %sign3A_34 = arith.extui %sign3A_33 : i1 to i32
    %sign3A_35 = arith.subi %sign3A_31, %sign3A_34 : i32
    %ne3A = arith.cmpi ne, %sign3A_28, %sign3A_35 : i32
    %rem3A = arith.remsi %sub3A_22, %jit3A : i32
    %ne3A_36 = arith.constant 0 : i32
    %ne3A_37 = arith.cmpi ne, %rem3A, %ne3A_36 : i32
    %and3A = arith.andi %ne3A, %ne3A_37 : i1
    %sub3A_38 = arith.constant 1 : i32
    %sub3A_39 = arith.subi %div3A, %sub3A_38 : i32
    %select_n3A = arith.select %and3A, %sub3A_39, %div3A : i32
    %while3A = arith.constant 0 : i32
    %while3A_40 = arith.constant 0 : i32
    %while3A_41 = arith.subi %select_n3A, %while3A : i32
    %while3A_42 = arith.addi %while3A, %while3A_41 : i32
    %while3A_43 = arith.constant 1 : i32
    %while3A_44 = arith.divsi %while3A_41, %while3A_43 : i32
    %while3A_45 = arith.muli %while3A_44, %while3A_43 : i32
    %while3A_46 = arith.addi %while3A, %while3A_45 : i32
    %while3A_47 = arith.constant 1 : i32
    %while3A_48 = scf.for %while3A_65 = %while3A to %while3A_46 step %while3A_47 iter_args(%while3A_66 = %while3A_40) -> (i32)  : i32 {
      %mul3A_67 = arith.constant 16384 : i32
      %mul3A_68 = arith.muli %while3A_65, %mul3A_67 : i32
      %add3A_69 = arith.addi %mul3A_9, %mul3A_68 : i32
      %sub3A_70 = arith.constant 16384 : i32
      %sub3A_71 = arith.subi %mul3A_11, %sub3A_70 : i32
      %min3A_72 = arith.minsi %add3A_69, %sub3A_71 : i32
      %dma_start3A = tpu.memref_slice %arg6[%min3A_72] : memref<100000000xf32, #tpu.memory_space<hbm>> -> memref<16384xf32, #tpu.memory_space<hbm>>
      %dma_start3A_73 = tpu.memref_slice %arg6[%min3A_72] : memref<100000000xf32, #tpu.memory_space<hbm>> -> memref<16384xf32, #tpu.memory_space<hbm>>
      tpu.enqueue_dma source(%arg11 : memref<16384xf32, #tpu.memory_space<vmem>>) target(%dma_start3A_73 : memref<16384xf32, #tpu.memory_space<hbm>>) target_semaphore(%arg16 : memref<!tpu.dma_semaphore, #tpu.memory_space<semaphore_mem>>)
      %while3A_74 = arith.constant 0 : i32
      scf.yield %while3A_74 : i32
    }
    %while3A_49 = arith.constant 1 : i32
    %while3A_50 = scf.for %while3A_65 = %while3A_46 to %while3A_42 step %while3A_49 iter_args(%while3A_66 = %while3A_48) -> (i32)  : i32 {
      %mul3A_67 = arith.constant 16384 : i32
      %mul3A_68 = arith.muli %while3A_65, %mul3A_67 : i32
      %add3A_69 = arith.addi %mul3A_9, %mul3A_68 : i32
      %sub3A_70 = arith.constant 16384 : i32
      %sub3A_71 = arith.subi %mul3A_11, %sub3A_70 : i32
      %min3A_72 = arith.minsi %add3A_69, %sub3A_71 : i32
      %dma_start3A = tpu.memref_slice %arg6[%min3A_72] : memref<100000000xf32, #tpu.memory_space<hbm>> -> memref<16384xf32, #tpu.memory_space<hbm>>
      %dma_start3A_73 = tpu.memref_slice %arg6[%min3A_72] : memref<100000000xf32, #tpu.memory_space<hbm>> -> memref<16384xf32, #tpu.memory_space<hbm>>
      tpu.enqueue_dma source(%arg11 : memref<16384xf32, #tpu.memory_space<vmem>>) target(%dma_start3A_73 : memref<16384xf32, #tpu.memory_space<hbm>>) target_semaphore(%arg16 : memref<!tpu.dma_semaphore, #tpu.memory_space<semaphore_mem>>)
      %while3A_74 = arith.constant 0 : i32
      scf.yield %while3A_74 : i32
    }
    "tpu.region"() ({
      %run_scoped3A = tpu.sem_alloc : memref<!tpu.dma_semaphore, #tpu.memory_space<semaphore_mem>>
      tpu.enqueue_dma source(%arg5 : memref<32xf32, #tpu.memory_space<hbm>>) target(%arg10 : memref<32xf32, #tpu.memory_space<vmem>>) target_semaphore(%run_scoped3A : memref<!tpu.dma_semaphore, #tpu.memory_space<semaphore_mem>>)
      tpu.wait_dma2 semaphore(%run_scoped3A : memref<!tpu.dma_semaphore, #tpu.memory_space<semaphore_mem>>) src(%arg5 : memref<32xf32, #tpu.memory_space<hbm>>) dst(%arg10 : memref<32xf32, #tpu.memory_space<vmem>>)
      tpu.yield
    }) : () -> ()
    %scan3A_51 = arith.constant 0 : i32
    %scan3A_52 = arith.constant 0 : i32
    %scan3A_53 = arith.constant 0 : i32
    %scan3A_54 = arith.constant 50 : i32
    %scan3A_55 = arith.addi %scan3A_53, %scan3A_54 : i32
    %scan3A_56 = arith.constant 1 : i32
    %scan3A_57:2 = scf.for %scan3A_65 = %scan3A_53 to %scan3A_55 step %scan3A_56 iter_args(%scan3A_66 = %scan3A_51, %scan3A_67 = %scan3A_52) -> (i32, i32)  : i32 {
      %mul3A_68 = arith.constant 12800 : i32
      %mul3A_69 = arith.muli %scan3A_65, %mul3A_68 : i32
      %dma_start3A = tpu.memref_slice %arg2[%mul3A_69] : memref<640000xi32, #tpu.memory_space<hbm>> -> memref<12800xi32, #tpu.memory_space<hbm>>
      %dma_start3A_70 = tpu.memref_slice %arg2[%mul3A_69] : memref<640000xi32, #tpu.memory_space<hbm>> -> memref<12800xi32, #tpu.memory_space<hbm>>
      tpu.enqueue_dma source(%dma_start3A_70 : memref<12800xi32, #tpu.memory_space<hbm>>) target(%arg7 : memref<12800xi32, #tpu.memory_space<vmem>>) target_semaphore(%arg17 : memref<!tpu.dma_semaphore, #tpu.memory_space<semaphore_mem>>)
      %dma_start3A_71 = tpu.memref_slice %arg3[%mul3A_69] : memref<640000xi32, #tpu.memory_space<hbm>> -> memref<12800xi32, #tpu.memory_space<hbm>>
      %dma_start3A_72 = tpu.memref_slice %arg3[%mul3A_69] : memref<640000xi32, #tpu.memory_space<hbm>> -> memref<12800xi32, #tpu.memory_space<hbm>>
      tpu.enqueue_dma source(%dma_start3A_72 : memref<12800xi32, #tpu.memory_space<hbm>>) target(%arg8 : memref<12800xi32, #tpu.memory_space<vmem>>) target_semaphore(%arg17 : memref<!tpu.dma_semaphore, #tpu.memory_space<semaphore_mem>>)
      %dma_start3A_73 = tpu.memref_slice %arg4[%mul3A_69] : memref<640000xi32, #tpu.memory_space<hbm>> -> memref<12800xi32, #tpu.memory_space<hbm>>
      %dma_start3A_74 = tpu.memref_slice %arg4[%mul3A_69] : memref<640000xi32, #tpu.memory_space<hbm>> -> memref<12800xi32, #tpu.memory_space<hbm>>
      tpu.enqueue_dma source(%dma_start3A_74 : memref<12800xi32, #tpu.memory_space<hbm>>) target(%arg9 : memref<12800xi32, #tpu.memory_space<vmem>>) target_semaphore(%arg17 : memref<!tpu.dma_semaphore, #tpu.memory_space<semaphore_mem>>)
      %dma_wait3A = tpu.memref_slice %arg2[%mul3A_69] : memref<640000xi32, #tpu.memory_space<hbm>> -> memref<12800xi32, #tpu.memory_space<hbm>>
      %dma_wait3A_75 = tpu.memref_slice %arg2[%mul3A_69] : memref<640000xi32, #tpu.memory_space<hbm>> -> memref<12800xi32, #tpu.memory_space<hbm>>
      tpu.wait_dma2 semaphore(%arg17 : memref<!tpu.dma_semaphore, #tpu.memory_space<semaphore_mem>>) src(%dma_wait3A_75 : memref<12800xi32, #tpu.memory_space<hbm>>) dst(%arg7 : memref<12800xi32, #tpu.memory_space<vmem>>)
      %dma_wait3A_76 = tpu.memref_slice %arg3[%mul3A_69] : memref<640000xi32, #tpu.memory_space<hbm>> -> memref<12800xi32, #tpu.memory_space<hbm>>
      %dma_wait3A_77 = tpu.memref_slice %arg3[%mul3A_69] : memref<640000xi32, #tpu.memory_space<hbm>> -> memref<12800xi32, #tpu.memory_space<hbm>>
      tpu.wait_dma2 semaphore(%arg17 : memref<!tpu.dma_semaphore, #tpu.memory_space<semaphore_mem>>) src(%dma_wait3A_77 : memref<12800xi32, #tpu.memory_space<hbm>>) dst(%arg8 : memref<12800xi32, #tpu.memory_space<vmem>>)
      %dma_wait3A_78 = tpu.memref_slice %arg4[%mul3A_69] : memref<640000xi32, #tpu.memory_space<hbm>> -> memref<12800xi32, #tpu.memory_space<hbm>>
      %dma_wait3A_79 = tpu.memref_slice %arg4[%mul3A_69] : memref<640000xi32, #tpu.memory_space<hbm>> -> memref<12800xi32, #tpu.memory_space<hbm>>
      tpu.wait_dma2 semaphore(%arg17 : memref<!tpu.dma_semaphore, #tpu.memory_space<semaphore_mem>>) src(%dma_wait3A_79 : memref<12800xi32, #tpu.memory_space<hbm>>) dst(%arg9 : memref<12800xi32, #tpu.memory_space<vmem>>)
      %scan3A_80 = arith.constant 0 : i32
      %scan3A_81 = arith.constant 800 : i32
      %scan3A_82 = arith.addi %scan3A_80, %scan3A_81 : i32
      %scan3A_83 = arith.constant 1 : i32
      %scan3A_84:2 = scf.for %scan3A_86 = %scan3A_80 to %scan3A_82 step %scan3A_83 iter_args(%scan3A_87 = %scan3A_66, %scan3A_88 = %scan3A_67) -> (i32, i32)  : i32 {
        %mul3A_89 = arith.constant 16 : i32
        %mul3A_90 = arith.muli %scan3A_86, %mul3A_89 : i32
        %get3A = arith.index_cast %mul3A_90 : i32 to index
        %get3A_91 = tpu.vector_load %arg7[%get3A] {strides = array<i32>} : memref<12800xi32, #tpu.memory_space<vmem>>, vector<16xi32>,
        %get3A_92 = arith.index_cast %mul3A_90 : i32 to index
        %get3A_93 = tpu.vector_load %arg8[%get3A_92] {strides = array<i32>} : memref<12800xi32, #tpu.memory_space<vmem>>, vector<16xi32>,
        %get3A_94 = arith.index_cast %mul3A_90 : i32 to index
        %get3A_95 = tpu.vector_load %arg9[%get3A_94] {strides = array<i32>} : memref<12800xi32, #tpu.memory_space<vmem>>, vector<16xi32>,
        %mul3A_96 = arith.constant 10000 : i32
        %mul3A_97 = vector.broadcast %mul3A_96 : i32 to vector<16xi32>
        %mul3A_98 = arith.muli %get3A_91, %mul3A_97 : vector<16xi32>
        %add3A_99 = arith.addi %mul3A_98, %get3A_93 : vector<16xi32>
        %ge3A = vector.broadcast %mul3A_9 : i32 to vector<16xi32>
        %ge3A_100 = arith.cmpi sge, %add3A_99, %ge3A : vector<16xi32>
        %lt3A = vector.broadcast %mul3A_11 : i32 to vector<16xi32>
        %lt3A_101 = arith.cmpi slt, %add3A_99, %lt3A : vector<16xi32>
        %and3A_102 = arith.andi %ge3A_100, %lt3A_101 : vector<16xi1>
        %min3A_103 = arith.constant 20 : i32
        %min3A_104 = vector.broadcast %min3A_103 : i32 to vector<16xi32>
        %min3A_105 = arith.minsi %get3A_95, %min3A_104 : vector<16xi32>
        %sub3A_106 = arith.constant 1 : i32
        %sub3A_107 = vector.broadcast %sub3A_106 : i32 to vector<16xi32>
        %sub3A_108 = arith.subi %min3A_105, %sub3A_107 : vector<16xi32>
        %gather3A = tpu.vector_load_idx %arg10[%sub3A_108] : memref<32xf32, #tpu.memory_space<vmem>>[vector<16xi32>], vector<16xf32>,
        %swap3A = arith.index_cast %scan3A_87 : i32 to index
        %swap3A_109 = tpu.vector_load %arg12[%swap3A] masked %and3A_102 {strides = array<i32>} : memref<24704xi32, #tpu.memory_space<vmem>>, vector<16xi32>, vector<16xi1>
        tpu.vector_store %arg12[%swap3A], %add3A_99 masked %and3A_102 {strides = array<i32>} : memref<24704xi32, #tpu.memory_space<vmem>>, vector<16xi32>, vector<16xi1>
        %swap3A_110 = arith.index_cast %scan3A_87 : i32 to index
        %swap3A_111 = tpu.vector_load %arg13[%swap3A_110] masked %and3A_102 {strides = array<i32>} : memref<24704xf32, #tpu.memory_space<vmem>>, vector<16xf32>, vector<16xi1>
        tpu.vector_store %arg13[%swap3A_110], %gather3A masked %and3A_102 {strides = array<i32>} : memref<24704xf32, #tpu.memory_space<vmem>>, vector<16xf32>, vector<16xi1>
        %convert_element_type3A_112 = arith.extui %and3A_102 : vector<16xi1> to vector<16xi32>
        %reduce_sum3A = arith.constant true
        %reduce_sum3A_113 = vector.broadcast %reduce_sum3A : i1 to vector<16xi1>
        %reduce_sum3A_114 = tpu.scan <sum>, %convert_element_type3A_112 masked %reduce_sum3A_113 : vector<16xi32>, vector<16xi1> -> vector<16xi32>
        %reduce_sum3A_115 = vector.extract %reduce_sum3A_114[15] : i32 from vector<16xi32>
        %add3A_116 = arith.addi %scan3A_87, %reduce_sum3A_115 : i32
        %ge3A_117 = arith.constant 24560 : i32
        %ge3A_118 = arith.cmpi sge, %add3A_116, %ge3A_117 : i32
        %convert_element_type3A_119 = arith.extui %ge3A_118 : i1 to i32
        %cond3A_120 = arith.constant 0 : i32
        %cond3A_121 = arith.cmpi ne, %convert_element_type3A_119, %cond3A_120 : i32
        %cond3A_122:2 = scf.if %cond3A_121 -> (i32, i32) {
          %eq3A_123 = arith.constant 0 : i32
          %eq3A_124 = arith.cmpi eq, %scan3A_88, %eq3A_123 : i32
          %convert_element_type3A_125 = arith.extui %eq3A_124 : i1 to i32
          %cond3A_126 = arith.constant 0 : i32
          %cond3A_127 = arith.cmpi ne, %convert_element_type3A_125, %cond3A_126 : i32
          scf.if %cond3A_127 {
            %while3A_296 = arith.constant 0 : i32
            %while3A_297 = arith.constant 0 : i32
            %while3A_298 = arith.subi %select_n3A, %while3A_296 : i32
            %while3A_299 = arith.addi %while3A_296, %while3A_298 : i32
            %while3A_300 = arith.constant 1 : i32
            %while3A_301 = arith.divsi %while3A_298, %while3A_300 : i32
            %while3A_302 = arith.muli %while3A_301, %while3A_300 : i32
            %while3A_303 = arith.addi %while3A_296, %while3A_302 : i32
            %while3A_304 = arith.constant 1 : i32
            %while3A_305 = scf.for %while3A_308 = %while3A_296 to %while3A_303 step %while3A_304 iter_args(%while3A_309 = %while3A_297) -> (i32)  : i32 {
              %dma_wait3A_310 = tpu.memref_slice %arg6[%mul3A_9] : memref<100000000xf32, #tpu.memory_space<hbm>> -> memref<16384xf32, #tpu.memory_space<hbm>>
              %dma_wait3A_311 = tpu.memref_slice %arg6[%mul3A_9] : memref<100000000xf32, #tpu.memory_space<hbm>> -> memref<16384xf32, #tpu.memory_space<hbm>>
              tpu.wait_dma2 semaphore(%arg16 : memref<!tpu.dma_semaphore, #tpu.memory_space<semaphore_mem>>) src(%arg11 : memref<16384xf32, #tpu.memory_space<vmem>>) dst(%dma_wait3A_311 : memref<16384xf32, #tpu.memory_space<hbm>>)
              %while3A_312 = arith.constant 0 : i32
              scf.yield %while3A_312 : i32
            }
            %while3A_306 = arith.constant 1 : i32
            %while3A_307 = scf.for %while3A_308 = %while3A_303 to %while3A_299 step %while3A_306 iter_args(%while3A_309 = %while3A_305) -> (i32)  : i32 {
              %dma_wait3A_310 = tpu.memref_slice %arg6[%mul3A_9] : memref<100000000xf32, #tpu.memory_space<hbm>> -> memref<16384xf32, #tpu.memory_space<hbm>>
              %dma_wait3A_311 = tpu.memref_slice %arg6[%mul3A_9] : memref<100000000xf32, #tpu.memory_space<hbm>> -> memref<16384xf32, #tpu.memory_space<hbm>>
              tpu.wait_dma2 semaphore(%arg16 : memref<!tpu.dma_semaphore, #tpu.memory_space<semaphore_mem>>) src(%arg11 : memref<16384xf32, #tpu.memory_space<vmem>>) dst(%dma_wait3A_311 : memref<16384xf32, #tpu.memory_space<hbm>>)
              %while3A_312 = arith.constant 0 : i32
              scf.yield %while3A_312 : i32
            }
          } else {
          }
          %jit3A_128 = arith.constant 128 : i32
          %div3A_129 = arith.divsi %add3A_116, %jit3A_128 : i32
          %sign3A_130 = arith.constant 0 : i32
          %sign3A_131 = arith.cmpi sgt, %add3A_116, %sign3A_130 : i32
          %sign3A_132 = arith.extui %sign3A_131 : i1 to i32
          %sign3A_133 = arith.constant 0 : i32
          %sign3A_134 = arith.cmpi slt, %add3A_116, %sign3A_133 : i32
          %sign3A_135 = arith.extui %sign3A_134 : i1 to i32
          %sign3A_136 = arith.subi %sign3A_132, %sign3A_135 : i32
          %sign3A_137 = arith.constant 0 : i32
          %sign3A_138 = arith.cmpi sgt, %jit3A_128, %sign3A_137 : i32
          %sign3A_139 = arith.extui %sign3A_138 : i1 to i32
          %sign3A_140 = arith.constant 0 : i32
          %sign3A_141 = arith.cmpi slt, %jit3A_128, %sign3A_140 : i32
          %sign3A_142 = arith.extui %sign3A_141 : i1 to i32
          %sign3A_143 = arith.subi %sign3A_139, %sign3A_142 : i32
          %ne3A_144 = arith.cmpi ne, %sign3A_136, %sign3A_143 : i32
          %rem3A_145 = arith.remsi %add3A_116, %jit3A_128 : i32
          %ne3A_146 = arith.constant 0 : i32
          %ne3A_147 = arith.cmpi ne, %rem3A_145, %ne3A_146 : i32
          %and3A_148 = arith.andi %ne3A_144, %ne3A_147 : i1
          %sub3A_149 = arith.constant 1 : i32
          %sub3A_150 = arith.subi %div3A_129, %sub3A_149 : i32
          %select_n3A_151 = arith.select %and3A_148, %sub3A_150, %div3A_129 : i32
          %while3A_152 = arith.constant 0 : i32
          %while3A_153 = arith.constant 0 : i32
          %while3A_154 = arith.subi %select_n3A_151, %while3A_152 : i32
          %while3A_155 = arith.addi %while3A_152, %while3A_154 : i32
          %while3A_156 = arith.constant 1 : i32
          %while3A_157 = arith.divsi %while3A_154, %while3A_156 : i32
          %while3A_158 = arith.muli %while3A_157, %while3A_156 : i32
          %while3A_159 = arith.addi %while3A_152, %while3A_158 : i32
          %while3A_160 = arith.constant 1 : i32
          %while3A_161 = scf.for %while3A_296 = %while3A_152 to %while3A_159 step %while3A_160 iter_args(%while3A_297 = %while3A_153) -> (i32)  : i32 {
            %mul3A_298 = arith.constant 128 : i32
            %mul3A_299 = arith.muli %while3A_296, %mul3A_298 : i32
            %add3A_300 = arith.constant 0 : i32
            %add3A_301 = arith.addi %mul3A_299, %add3A_300 : i32
            %get3A_302 = arith.index_cast %add3A_301 : i32 to index
            %get3A_303 = tpu.vector_load %arg12[%get3A_302] {strides = array<i32>} : memref<24704xi32, #tpu.memory_space<vmem>>, vector<16xi32>,
            %swap3A_304 = arith.constant 0 : index
            %swap3A_305 = tpu.vector_load %arg14[%swap3A_304] {strides = array<i32>} : memref<128xi32, #tpu.memory_space<vmem>>, vector<16xi32>,
            tpu.vector_store %arg14[%swap3A_304], %get3A_303 {strides = array<i32>} : memref<128xi32, #tpu.memory_space<vmem>>, vector<16xi32>,
            %add3A_306 = arith.constant 0 : i32
            %add3A_307 = arith.addi %mul3A_299, %add3A_306 : i32
            %get3A_308 = arith.index_cast %add3A_307 : i32 to index
            %get3A_309 = tpu.vector_load %arg13[%get3A_308] {strides = array<i32>} : memref<24704xf32, #tpu.memory_space<vmem>>, vector<16xf32>,
            %swap3A_310 = arith.constant 0 : index
            %swap3A_311 = tpu.vector_load %arg15[%swap3A_310] {strides = array<i32>} : memref<128xf32, #tpu.memory_space<vmem>>, vector<16xf32>,
            tpu.vector_store %arg15[%swap3A_310], %get3A_309 {strides = array<i32>} : memref<128xf32, #tpu.memory_space<vmem>>, vector<16xf32>,
            %add3A_312 = arith.constant 16 : i32
            %add3A_313 = arith.addi %mul3A_299, %add3A_312 : i32
            %get3A_314 = arith.index_cast %add3A_313 : i32 to index
            %get3A_315 = tpu.vector_load %arg12[%get3A_314] {strides = array<i32>} : memref<24704xi32, #tpu.memory_space<vmem>>, vector<16xi32>,
            %swap3A_316 = arith.constant 16 : index
            %swap3A_317 = tpu.vector_load %arg14[%swap3A_316] {strides = array<i32>} : memref<128xi32, #tpu.memory_space<vmem>>, vector<16xi32>,
            tpu.vector_store %arg14[%swap3A_316], %get3A_315 {strides = array<i32>} : memref<128xi32, #tpu.memory_space<vmem>>, vector<16xi32>,
            %add3A_318 = arith.constant 16 : i32
            %add3A_319 = arith.addi %mul3A_299, %add3A_318 : i32
            %get3A_320 = arith.index_cast %add3A_319 : i32 to index
            %get3A_321 = tpu.vector_load %arg13[%get3A_320] {strides = array<i32>} : memref<24704xf32, #tpu.memory_space<vmem>>, vector<16xf32>,
            %swap3A_322 = arith.constant 16 : index
            %swap3A_323 = tpu.vector_load %arg15[%swap3A_322] {strides = array<i32>} : memref<128xf32, #tpu.memory_space<vmem>>, vector<16xf32>,
            tpu.vector_store %arg15[%swap3A_322], %get3A_321 {strides = array<i32>} : memref<128xf32, #tpu.memory_space<vmem>>, vector<16xf32>,
            %add3A_324 = arith.constant 32 : i32
            %add3A_325 = arith.addi %mul3A_299, %add3A_324 : i32
            %get3A_326 = arith.index_cast %add3A_325 : i32 to index
            %get3A_327 = tpu.vector_load %arg12[%get3A_326] {strides = array<i32>} : memref<24704xi32, #tpu.memory_space<vmem>>, vector<16xi32>,
            %swap3A_328 = arith.constant 32 : index
            %swap3A_329 = tpu.vector_load %arg14[%swap3A_328] {strides = array<i32>} : memref<128xi32, #tpu.memory_space<vmem>>, vector<16xi32>,
            tpu.vector_store %arg14[%swap3A_328], %get3A_327 {strides = array<i32>} : memref<128xi32, #tpu.memory_space<vmem>>, vector<16xi32>,
            %add3A_330 = arith.constant 32 : i32
            %add3A_331 = arith.addi %mul3A_299, %add3A_330 : i32
            %get3A_332 = arith.index_cast %add3A_331 : i32 to index
            %get3A_333 = tpu.vector_load %arg13[%get3A_332] {strides = array<i32>} : memref<24704xf32, #tpu.memory_space<vmem>>, vector<16xf32>,
            %swap3A_334 = arith.constant 32 : index
            %swap3A_335 = tpu.vector_load %arg15[%swap3A_334] {strides = array<i32>} : memref<128xf32, #tpu.memory_space<vmem>>, vector<16xf32>,
            tpu.vector_store %arg15[%swap3A_334], %get3A_333 {strides = array<i32>} : memref<128xf32, #tpu.memory_space<vmem>>, vector<16xf32>,
            %add3A_336 = arith.constant 48 : i32
            %add3A_337 = arith.addi %mul3A_299, %add3A_336 : i32
            %get3A_338 = arith.index_cast %add3A_337 : i32 to index
            %get3A_339 = tpu.vector_load %arg12[%get3A_338] {strides = array<i32>} : memref<24704xi32, #tpu.memory_space<vmem>>, vector<16xi32>,
            %swap3A_340 = arith.constant 48 : index
            %swap3A_341 = tpu.vector_load %arg14[%swap3A_340] {strides = array<i32>} : memref<128xi32, #tpu.memory_space<vmem>>, vector<16xi32>,
            tpu.vector_store %arg14[%swap3A_340], %get3A_339 {strides = array<i32>} : memref<128xi32, #tpu.memory_space<vmem>>, vector<16xi32>,
            %add3A_342 = arith.constant 48 : i32
            %add3A_343 = arith.addi %mul3A_299, %add3A_342 : i32
            %get3A_344 = arith.index_cast %add3A_343 : i32 to index
            %get3A_345 = tpu.vector_load %arg13[%get3A_344] {strides = array<i32>} : memref<24704xf32, #tpu.memory_space<vmem>>, vector<16xf32>,
            %swap3A_346 = arith.constant 48 : index
            %swap3A_347 = tpu.vector_load %arg15[%swap3A_346] {strides = array<i32>} : memref<128xf32, #tpu.memory_space<vmem>>, vector<16xf32>,
            tpu.vector_store %arg15[%swap3A_346], %get3A_345 {strides = array<i32>} : memref<128xf32, #tpu.memory_space<vmem>>, vector<16xf32>,
            %add3A_348 = arith.constant 64 : i32
            %add3A_349 = arith.addi %mul3A_299, %add3A_348 : i32
            %get3A_350 = arith.index_cast %add3A_349 : i32 to index
            %get3A_351 = tpu.vector_load %arg12[%get3A_350] {strides = array<i32>} : memref<24704xi32, #tpu.memory_space<vmem>>, vector<16xi32>,
            %swap3A_352 = arith.constant 64 : index
            %swap3A_353 = tpu.vector_load %arg14[%swap3A_352] {strides = array<i32>} : memref<128xi32, #tpu.memory_space<vmem>>, vector<16xi32>,
            tpu.vector_store %arg14[%swap3A_352], %get3A_351 {strides = array<i32>} : memref<128xi32, #tpu.memory_space<vmem>>, vector<16xi32>,
            %add3A_354 = arith.constant 64 : i32
            %add3A_355 = arith.addi %mul3A_299, %add3A_354 : i32
            %get3A_356 = arith.index_cast %add3A_355 : i32 to index
            %get3A_357 = tpu.vector_load %arg13[%get3A_356] {strides = array<i32>} : memref<24704xf32, #tpu.memory_space<vmem>>, vector<16xf32>,
            %swap3A_358 = arith.constant 64 : index
            %swap3A_359 = tpu.vector_load %arg15[%swap3A_358] {strides = array<i32>} : memref<128xf32, #tpu.memory_space<vmem>>, vector<16xf32>,
            tpu.vector_store %arg15[%swap3A_358], %get3A_357 {strides = array<i32>} : memref<128xf32, #tpu.memory_space<vmem>>, vector<16xf32>,
            %add3A_360 = arith.constant 80 : i32
            %add3A_361 = arith.addi %mul3A_299, %add3A_360 : i32
            %get3A_362 = arith.index_cast %add3A_361 : i32 to index
            %get3A_363 = tpu.vector_load %arg12[%get3A_362] {strides = array<i32>} : memref<24704xi32, #tpu.memory_space<vmem>>, vector<16xi32>,
            %swap3A_364 = arith.constant 80 : index
            %swap3A_365 = tpu.vector_load %arg14[%swap3A_364] {strides = array<i32>} : memref<128xi32, #tpu.memory_space<vmem>>, vector<16xi32>,
            tpu.vector_store %arg14[%swap3A_364], %get3A_363 {strides = array<i32>} : memref<128xi32, #tpu.memory_space<vmem>>, vector<16xi32>,
            %add3A_366 = arith.constant 80 : i32
            %add3A_367 = arith.addi %mul3A_299, %add3A_366 : i32
            %get3A_368 = arith.index_cast %add3A_367 : i32 to index
            %get3A_369 = tpu.vector_load %arg13[%get3A_368] {strides = array<i32>} : memref<24704xf32, #tpu.memory_space<vmem>>, vector<16xf32>,
            %swap3A_370 = arith.constant 80 : index
            %swap3A_371 = tpu.vector_load %arg15[%swap3A_370] {strides = array<i32>} : memref<128xf32, #tpu.memory_space<vmem>>, vector<16xf32>,
            tpu.vector_store %arg15[%swap3A_370], %get3A_369 {strides = array<i32>} : memref<128xf32, #tpu.memory_space<vmem>>, vector<16xf32>,
            %add3A_372 = arith.constant 96 : i32
            %add3A_373 = arith.addi %mul3A_299, %add3A_372 : i32
            %get3A_374 = arith.index_cast %add3A_373 : i32 to index
            %get3A_375 = tpu.vector_load %arg12[%get3A_374] {strides = array<i32>} : memref<24704xi32, #tpu.memory_space<vmem>>, vector<16xi32>,
            %swap3A_376 = arith.constant 96 : index
            %swap3A_377 = tpu.vector_load %arg14[%swap3A_376] {strides = array<i32>} : memref<128xi32, #tpu.memory_space<vmem>>, vector<16xi32>,
            tpu.vector_store %arg14[%swap3A_376], %get3A_375 {strides = array<i32>} : memref<128xi32, #tpu.memory_space<vmem>>, vector<16xi32>,
            %add3A_378 = arith.constant 96 : i32
            %add3A_379 = arith.addi %mul3A_299, %add3A_378 : i32
            %get3A_380 = arith.index_cast %add3A_379 : i32 to index
            %get3A_381 = tpu.vector_load %arg13[%get3A_380] {strides = array<i32>} : memref<24704xf32, #tpu.memory_space<vmem>>, vector<16xf32>,
            %swap3A_382 = arith.constant 96 : index
            %swap3A_383 = tpu.vector_load %arg15[%swap3A_382] {strides = array<i32>} : memref<128xf32, #tpu.memory_space<vmem>>, vector<16xf32>,
            tpu.vector_store %arg15[%swap3A_382], %get3A_381 {strides = array<i32>} : memref<128xf32, #tpu.memory_space<vmem>>, vector<16xf32>,
            %add3A_384 = arith.constant 112 : i32
            %add3A_385 = arith.addi %mul3A_299, %add3A_384 : i32
            %get3A_386 = arith.index_cast %add3A_385 : i32 to index
            %get3A_387 = tpu.vector_load %arg12[%get3A_386] {strides = array<i32>} : memref<24704xi32, #tpu.memory_space<vmem>>, vector<16xi32>,
            %swap3A_388 = arith.constant 112 : index
            %swap3A_389 = tpu.vector_load %arg14[%swap3A_388] {strides = array<i32>} : memref<128xi32, #tpu.memory_space<vmem>>, vector<16xi32>,
            tpu.vector_store %arg14[%swap3A_388], %get3A_387 {strides = array<i32>} : memref<128xi32, #tpu.memory_space<vmem>>, vector<16xi32>,
            %add3A_390 = arith.constant 112 : i32
            %add3A_391 = arith.addi %mul3A_299, %add3A_390 : i32
            %get3A_392 = arith.index_cast %add3A_391 : i32 to index
            %get3A_393 = tpu.vector_load %arg13[%get3A_392] {strides = array<i32>} : memref<24704xf32, #tpu.memory_space<vmem>>, vector<16xf32>,
            %swap3A_394 = arith.constant 112 : index
            %swap3A_395 = tpu.vector_load %arg15[%swap3A_394] {strides = array<i32>} : memref<128xf32, #tpu.memory_space<vmem>>, vector<16xf32>,
            tpu.vector_store %arg15[%swap3A_394], %get3A_393 {strides = array<i32>} : memref<128xf32, #tpu.memory_space<vmem>>, vector<16xf32>,
            %dma_start3A_396 = arith.constant 0 : i32
            %dma_start3A_397 = tpu.memref_slice %arg6[%dma_start3A_396] : memref<100000000xf32, #tpu.memory_space<hbm>> -> memref<100000000xf32, #tpu.memory_space<hbm>>
            tpu.enqueue_indirect_dma source(%arg15 : memref<128xf32, #tpu.memory_space<vmem>>) target(%dma_start3A_397 : memref<100000000xf32, #tpu.memory_space<hbm>>) offsets(%arg14 : memref<128xi32, #tpu.memory_space<vmem>>) semaphore(%arg18 : memref<!tpu.dma_semaphore, #tpu.memory_space<semaphore_mem>>)
            %dma_wait3A_398 = arith.constant 0 : i32
            %dma_wait3A_399 = tpu.memref_slice %arg6[%dma_wait3A_398] : memref<100000000xf32, #tpu.memory_space<hbm>> -> memref<100000000xf32, #tpu.memory_space<hbm>>
            tpu.wait_indirect_dma semaphore(%arg18 : memref<!tpu.dma_semaphore, #tpu.memory_space<semaphore_mem>>) src(%arg15 : memref<128xf32, #tpu.memory_space<vmem>>) dst(%dma_wait3A_399 : memref<100000000xf32, #tpu.memory_space<hbm>>)
            %while3A_400 = arith.constant 0 : i32
            scf.yield %while3A_400 : i32
          }
          %while3A_162 = arith.constant 1 : i32
          %while3A_163 = scf.for %while3A_296 = %while3A_159 to %while3A_155 step %while3A_162 iter_args(%while3A_297 = %while3A_161) -> (i32)  : i32 {
            %mul3A_298 = arith.constant 128 : i32
            %mul3A_299 = arith.muli %while3A_296, %mul3A_298 : i32
            %add3A_300 = arith.constant 0 : i32
            %add3A_301 = arith.addi %mul3A_299, %add3A_300 : i32
            %get3A_302 = arith.index_cast %add3A_301 : i32 to index
            %get3A_303 = tpu.vector_load %arg12[%get3A_302] {strides = array<i32>} : memref<24704xi32, #tpu.memory_space<vmem>>, vector<16xi32>,
            %swap3A_304 = arith.constant 0 : index
            %swap3A_305 = tpu.vector_load %arg14[%swap3A_304] {strides = array<i32>} : memref<128xi32, #tpu.memory_space<vmem>>, vector<16xi32>,
            tpu.vector_store %arg14[%swap3A_304], %get3A_303 {strides = array<i32>} : memref<128xi32, #tpu.memory_space<vmem>>, vector<16xi32>,
            %add3A_306 = arith.constant 0 : i32
            %add3A_307 = arith.addi %mul3A_299, %add3A_306 : i32
            %get3A_308 = arith.index_cast %add3A_307 : i32 to index
            %get3A_309 = tpu.vector_load %arg13[%get3A_308] {strides = array<i32>} : memref<24704xf32, #tpu.memory_space<vmem>>, vector<16xf32>,
            %swap3A_310 = arith.constant 0 : index
            %swap3A_311 = tpu.vector_load %arg15[%swap3A_310] {strides = array<i32>} : memref<128xf32, #tpu.memory_space<vmem>>, vector<16xf32>,
            tpu.vector_store %arg15[%swap3A_310], %get3A_309 {strides = array<i32>} : memref<128xf32, #tpu.memory_space<vmem>>, vector<16xf32>,
            %add3A_312 = arith.constant 16 : i32
            %add3A_313 = arith.addi %mul3A_299, %add3A_312 : i32
            %get3A_314 = arith.index_cast %add3A_313 : i32 to index
            %get3A_315 = tpu.vector_load %arg12[%get3A_314] {strides = array<i32>} : memref<24704xi32, #tpu.memory_space<vmem>>, vector<16xi32>,
            %swap3A_316 = arith.constant 16 : index
            %swap3A_317 = tpu.vector_load %arg14[%swap3A_316] {strides = array<i32>} : memref<128xi32, #tpu.memory_space<vmem>>, vector<16xi32>,
            tpu.vector_store %arg14[%swap3A_316], %get3A_315 {strides = array<i32>} : memref<128xi32, #tpu.memory_space<vmem>>, vector<16xi32>,
            %add3A_318 = arith.constant 16 : i32
            %add3A_319 = arith.addi %mul3A_299, %add3A_318 : i32
            %get3A_320 = arith.index_cast %add3A_319 : i32 to index
            %get3A_321 = tpu.vector_load %arg13[%get3A_320] {strides = array<i32>} : memref<24704xf32, #tpu.memory_space<vmem>>, vector<16xf32>,
            %swap3A_322 = arith.constant 16 : index
            %swap3A_323 = tpu.vector_load %arg15[%swap3A_322] {strides = array<i32>} : memref<128xf32, #tpu.memory_space<vmem>>, vector<16xf32>,
            tpu.vector_store %arg15[%swap3A_322], %get3A_321 {strides = array<i32>} : memref<128xf32, #tpu.memory_space<vmem>>, vector<16xf32>,
            %add3A_324 = arith.constant 32 : i32
            %add3A_325 = arith.addi %mul3A_299, %add3A_324 : i32
            %get3A_326 = arith.index_cast %add3A_325 : i32 to index
            %get3A_327 = tpu.vector_load %arg12[%get3A_326] {strides = array<i32>} : memref<24704xi32, #tpu.memory_space<vmem>>, vector<16xi32>,
            %swap3A_328 = arith.constant 32 : index
            %swap3A_329 = tpu.vector_load %arg14[%swap3A_328] {strides = array<i32>} : memref<128xi32, #tpu.memory_space<vmem>>, vector<16xi32>,
            tpu.vector_store %arg14[%swap3A_328], %get3A_327 {strides = array<i32>} : memref<128xi32, #tpu.memory_space<vmem>>, vector<16xi32>,
            %add3A_330 = arith.constant 32 : i32
            %add3A_331 = arith.addi %mul3A_299, %add3A_330 : i32
            %get3A_332 = arith.index_cast %add3A_331 : i32 to index
            %get3A_333 = tpu.vector_load %arg13[%get3A_332] {strides = array<i32>} : memref<24704xf32, #tpu.memory_space<vmem>>, vector<16xf32>,
            %swap3A_334 = arith.constant 32 : index
            %swap3A_335 = tpu.vector_load %arg15[%swap3A_334] {strides = array<i32>} : memref<128xf32, #tpu.memory_space<vmem>>, vector<16xf32>,
            tpu.vector_store %arg15[%swap3A_334], %get3A_333 {strides = array<i32>} : memref<128xf32, #tpu.memory_space<vmem>>, vector<16xf32>,
            %add3A_336 = arith.constant 48 : i32
            %add3A_337 = arith.addi %mul3A_299, %add3A_336 : i32
            %get3A_338 = arith.index_cast %add3A_337 : i32 to index
            %get3A_339 = tpu.vector_load %arg12[%get3A_338] {strides = array<i32>} : memref<24704xi32, #tpu.memory_space<vmem>>, vector<16xi32>,
            %swap3A_340 = arith.constant 48 : index
            %swap3A_341 = tpu.vector_load %arg14[%swap3A_340] {strides = array<i32>} : memref<128xi32, #tpu.memory_space<vmem>>, vector<16xi32>,
            tpu.vector_store %arg14[%swap3A_340], %get3A_339 {strides = array<i32>} : memref<128xi32, #tpu.memory_space<vmem>>, vector<16xi32>,
            %add3A_342 = arith.constant 48 : i32
            %add3A_343 = arith.addi %mul3A_299, %add3A_342 : i32
            %get3A_344 = arith.index_cast %add3A_343 : i32 to index
            %get3A_345 = tpu.vector_load %arg13[%get3A_344] {strides = array<i32>} : memref<24704xf32, #tpu.memory_space<vmem>>, vector<16xf32>,
            %swap3A_346 = arith.constant 48 : index
            %swap3A_347 = tpu.vector_load %arg15[%swap3A_346] {strides = array<i32>} : memref<128xf32, #tpu.memory_space<vmem>>, vector<16xf32>,
            tpu.vector_store %arg15[%swap3A_346], %get3A_345 {strides = array<i32>} : memref<128xf32, #tpu.memory_space<vmem>>, vector<16xf32>,
            %add3A_348 = arith.constant 64 : i32
            %add3A_349 = arith.addi %mul3A_299, %add3A_348 : i32
            %get3A_350 = arith.index_cast %add3A_349 : i32 to index
            %get3A_351 = tpu.vector_load %arg12[%get3A_350] {strides = array<i32>} : memref<24704xi32, #tpu.memory_space<vmem>>, vector<16xi32>,
            %swap3A_352 = arith.constant 64 : index
            %swap3A_353 = tpu.vector_load %arg14[%swap3A_352] {strides = array<i32>} : memref<128xi32, #tpu.memory_space<vmem>>, vector<16xi32>,
            tpu.vector_store %arg14[%swap3A_352], %get3A_351 {strides = array<i32>} : memref<128xi32, #tpu.memory_space<vmem>>, vector<16xi32>,
            %add3A_354 = arith.constant 64 : i32
            %add3A_355 = arith.addi %mul3A_299, %add3A_354 : i32
            %get3A_356 = arith.index_cast %add3A_355 : i32 to index
            %get3A_357 = tpu.vector_load %arg13[%get3A_356] {strides = array<i32>} : memref<24704xf32, #tpu.memory_space<vmem>>, vector<16xf32>,
            %swap3A_358 = arith.constant 64 : index
            %swap3A_359 = tpu.vector_load %arg15[%swap3A_358] {strides = array<i32>} : memref<128xf32, #tpu.memory_space<vmem>>, vector<16xf32>,
            tpu.vector_store %arg15[%swap3A_358], %get3A_357 {strides = array<i32>} : memref<128xf32, #tpu.memory_space<vmem>>, vector<16xf32>,
            %add3A_360 = arith.constant 80 : i32
            %add3A_361 = arith.addi %mul3A_299, %add3A_360 : i32
            %get3A_362 = arith.index_cast %add3A_361 : i32 to index
            %get3A_363 = tpu.vector_load %arg12[%get3A_362] {strides = array<i32>} : memref<24704xi32, #tpu.memory_space<vmem>>, vector<16xi32>,
            %swap3A_364 = arith.constant 80 : index
            %swap3A_365 = tpu.vector_load %arg14[%swap3A_364] {strides = array<i32>} : memref<128xi32, #tpu.memory_space<vmem>>, vector<16xi32>,
            tpu.vector_store %arg14[%swap3A_364], %get3A_363 {strides = array<i32>} : memref<128xi32, #tpu.memory_space<vmem>>, vector<16xi32>,
            %add3A_366 = arith.constant 80 : i32
            %add3A_367 = arith.addi %mul3A_299, %add3A_366 : i32
            %get3A_368 = arith.index_cast %add3A_367 : i32 to index
            %get3A_369 = tpu.vector_load %arg13[%get3A_368] {strides = array<i32>} : memref<24704xf32, #tpu.memory_space<vmem>>, vector<16xf32>,
            %swap3A_370 = arith.constant 80 : index
            %swap3A_371 = tpu.vector_load %arg15[%swap3A_370] {strides = array<i32>} : memref<128xf32, #tpu.memory_space<vmem>>, vector<16xf32>,
            tpu.vector_store %arg15[%swap3A_370], %get3A_369 {strides = array<i32>} : memref<128xf32, #tpu.memory_space<vmem>>, vector<16xf32>,
            %add3A_372 = arith.constant 96 : i32
            %add3A_373 = arith.addi %mul3A_299, %add3A_372 : i32
            %get3A_374 = arith.index_cast %add3A_373 : i32 to index
            %get3A_375 = tpu.vector_load %arg12[%get3A_374] {strides = array<i32>} : memref<24704xi32, #tpu.memory_space<vmem>>, vector<16xi32>,
            %swap3A_376 = arith.constant 96 : index
            %swap3A_377 = tpu.vector_load %arg14[%swap3A_376] {strides = array<i32>} : memref<128xi32, #tpu.memory_space<vmem>>, vector<16xi32>,
            tpu.vector_store %arg14[%swap3A_376], %get3A_375 {strides = array<i32>} : memref<128xi32, #tpu.memory_space<vmem>>, vector<16xi32>,
            %add3A_378 = arith.constant 96 : i32
            %add3A_379 = arith.addi %mul3A_299, %add3A_378 : i32
            %get3A_380 = arith.index_cast %add3A_379 : i32 to index
            %get3A_381 = tpu.vector_load %arg13[%get3A_380] {strides = array<i32>} : memref<24704xf32, #tpu.memory_space<vmem>>, vector<16xf32>,
            %swap3A_382 = arith.constant 96 : index
            %swap3A_383 = tpu.vector_load %arg15[%swap3A_382] {strides = array<i32>} : memref<128xf32, #tpu.memory_space<vmem>>, vector<16xf32>,
            tpu.vector_store %arg15[%swap3A_382], %get3A_381 {strides = array<i32>} : memref<128xf32, #tpu.memory_space<vmem>>, vector<16xf32>,
            %add3A_384 = arith.constant 112 : i32
            %add3A_385 = arith.addi %mul3A_299, %add3A_384 : i32
            %get3A_386 = arith.index_cast %add3A_385 : i32 to index
            %get3A_387 = tpu.vector_load %arg12[%get3A_386] {strides = array<i32>} : memref<24704xi32, #tpu.memory_space<vmem>>, vector<16xi32>,
            %swap3A_388 = arith.constant 112 : index
            %swap3A_389 = tpu.vector_load %arg14[%swap3A_388] {strides = array<i32>} : memref<128xi32, #tpu.memory_space<vmem>>, vector<16xi32>,
            tpu.vector_store %arg14[%swap3A_388], %get3A_387 {strides = array<i32>} : memref<128xi32, #tpu.memory_space<vmem>>, vector<16xi32>,
            %add3A_390 = arith.constant 112 : i32
            %add3A_391 = arith.addi %mul3A_299, %add3A_390 : i32
            %get3A_392 = arith.index_cast %add3A_391 : i32 to index
            %get3A_393 = tpu.vector_load %arg13[%get3A_392] {strides = array<i32>} : memref<24704xf32, #tpu.memory_space<vmem>>, vector<16xf32>,
            %swap3A_394 = arith.constant 112 : index
            %swap3A_395 = tpu.vector_load %arg15[%swap3A_394] {strides = array<i32>} : memref<128xf32, #tpu.memory_space<vmem>>, vector<16xf32>,
            tpu.vector_store %arg15[%swap3A_394], %get3A_393 {strides = array<i32>} : memref<128xf32, #tpu.memory_space<vmem>>, vector<16xf32>,
            %dma_start3A_396 = arith.constant 0 : i32
            %dma_start3A_397 = tpu.memref_slice %arg6[%dma_start3A_396] : memref<100000000xf32, #tpu.memory_space<hbm>> -> memref<100000000xf32, #tpu.memory_space<hbm>>
            tpu.enqueue_indirect_dma source(%arg15 : memref<128xf32, #tpu.memory_space<vmem>>) target(%dma_start3A_397 : memref<100000000xf32, #tpu.memory_space<hbm>>) offsets(%arg14 : memref<128xi32, #tpu.memory_space<vmem>>) semaphore(%arg18 : memref<!tpu.dma_semaphore, #tpu.memory_space<semaphore_mem>>)
            %dma_wait3A_398 = arith.constant 0 : i32
            %dma_wait3A_399 = tpu.memref_slice %arg6[%dma_wait3A_398] : memref<100000000xf32, #tpu.memory_space<hbm>> -> memref<100000000xf32, #tpu.memory_space<hbm>>
            tpu.wait_indirect_dma semaphore(%arg18 : memref<!tpu.dma_semaphore, #tpu.memory_space<semaphore_mem>>) src(%arg15 : memref<128xf32, #tpu.memory_space<vmem>>) dst(%dma_wait3A_399 : memref<100000000xf32, #tpu.memory_space<hbm>>)
            %while3A_400 = arith.constant 0 : i32
            scf.yield %while3A_400 : i32
          }
          %mul3A_164 = arith.constant 128 : i32
          %mul3A_165 = arith.muli %select_n3A_151, %mul3A_164 : i32
          %sub3A_166 = arith.subi %add3A_116, %mul3A_165 : i32
          %mul3A_167 = arith.constant 128 : i32
          %mul3A_168 = arith.muli %select_n3A_151, %mul3A_167 : i32
          %add3A_169 = arith.constant 0 : i32
          %add3A_170 = arith.addi %mul3A_168, %add3A_169 : i32
          %get3A_171 = arith.index_cast %add3A_170 : i32 to index
          %get3A_172 = tpu.vector_load %arg12[%get3A_171] {strides = array<i32>} : memref<24704xi32, #tpu.memory_space<vmem>>, vector<16xi32>,
          %swap3A_173 = arith.constant 0 : index
          %swap3A_174 = tpu.vector_load %arg12[%swap3A_173] {strides = array<i32>} : memref<24704xi32, #tpu.memory_space<vmem>>, vector<16xi32>,
          tpu.vector_store %arg12[%swap3A_173], %get3A_172 {strides = array<i32>} : memref<24704xi32, #tpu.memory_space<vmem>>, vector<16xi32>,
          %mul3A_175 = arith.constant 128 : i32
          %mul3A_176 = arith.muli %select_n3A_151, %mul3A_175 : i32
          %add3A_177 = arith.constant 0 : i32
          %add3A_178 = arith.addi %mul3A_176, %add3A_177 : i32
          %get3A_179 = arith.index_cast %add3A_178 : i32 to index
          %get3A_180 = tpu.vector_load %arg13[%get3A_179] {strides = array<i32>} : memref<24704xf32, #tpu.memory_space<vmem>>, vector<16xf32>,
          %swap3A_181 = arith.constant 0 : index
          %swap3A_182 = tpu.vector_load %arg13[%swap3A_181] {strides = array<i32>} : memref<24704xf32, #tpu.memory_space<vmem>>, vector<16xf32>,
          tpu.vector_store %arg13[%swap3A_181], %get3A_180 {strides = array<i32>} : memref<24704xf32, #tpu.memory_space<vmem>>, vector<16xf32>,
          %mul3A_183 = arith.constant 128 : i32
          %mul3A_184 = arith.muli %select_n3A_151, %mul3A_183 : i32
          %add3A_185 = arith.constant 16 : i32
          %add3A_186 = arith.addi %mul3A_184, %add3A_185 : i32
          %get3A_187 = arith.index_cast %add3A_186 : i32 to index
          %get3A_188 = tpu.vector_load %arg12[%get3A_187] {strides = array<i32>} : memref<24704xi32, #tpu.memory_space<vmem>>, vector<16xi32>,
          %swap3A_189 = arith.constant 16 : index
          %swap3A_190 = tpu.vector_load %arg12[%swap3A_189] {strides = array<i32>} : memref<24704xi32, #tpu.memory_space<vmem>>, vector<16xi32>,
          tpu.vector_store %arg12[%swap3A_189], %get3A_188 {strides = array<i32>} : memref<24704xi32, #tpu.memory_space<vmem>>, vector<16xi32>,
          %mul3A_191 = arith.constant 128 : i32
          %mul3A_192 = arith.muli %select_n3A_151, %mul3A_191 : i32
          %add3A_193 = arith.constant 16 : i32
          %add3A_194 = arith.addi %mul3A_192, %add3A_193 : i32
          %get3A_195 = arith.index_cast %add3A_194 : i32 to index
          %get3A_196 = tpu.vector_load %arg13[%get3A_195] {strides = array<i32>} : memref<24704xf32, #tpu.memory_space<vmem>>, vector<16xf32>,
          %swap3A_197 = arith.constant 16 : index
          %swap3A_198 = tpu.vector_load %arg13[%swap3A_197] {strides = array<i32>} : memref<24704xf32, #tpu.memory_space<vmem>>, vector<16xf32>,
          tpu.vector_store %arg13[%swap3A_197], %get3A_196 {strides = array<i32>} : memref<24704xf32, #tpu.memory_space<vmem>>, vector<16xf32>,
          %mul3A_199 = arith.constant 128 : i32
          %mul3A_200 = arith.muli %select_n3A_151, %mul3A_199 : i32
          %add3A_201 = arith.constant 32 : i32
          %add3A_202 = arith.addi %mul3A_200, %add3A_201 : i32
          %get3A_203 = arith.index_cast %add3A_202 : i32 to index
          %get3A_204 = tpu.vector_load %arg12[%get3A_203] {strides = array<i32>} : memref<24704xi32, #tpu.memory_space<vmem>>, vector<16xi32>,
          %swap3A_205 = arith.constant 32 : index
          %swap3A_206 = tpu.vector_load %arg12[%swap3A_205] {strides = array<i32>} : memref<24704xi32, #tpu.memory_space<vmem>>, vector<16xi32>,
          tpu.vector_store %arg12[%swap3A_205], %get3A_204 {strides = array<i32>} : memref<24704xi32, #tpu.memory_space<vmem>>, vector<16xi32>,
          %mul3A_207 = arith.constant 128 : i32
          %mul3A_208 = arith.muli %select_n3A_151, %mul3A_207 : i32
          %add3A_209 = arith.constant 32 : i32
          %add3A_210 = arith.addi %mul3A_208, %add3A_209 : i32
          %get3A_211 = arith.index_cast %add3A_210 : i32 to index
          %get3A_212 = tpu.vector_load %arg13[%get3A_211] {strides = array<i32>} : memref<24704xf32, #tpu.memory_space<vmem>>, vector<16xf32>,
          %swap3A_213 = arith.constant 32 : index
          %swap3A_214 = tpu.vector_load %arg13[%swap3A_213] {strides = array<i32>} : memref<24704xf32, #tpu.memory_space<vmem>>, vector<16xf32>,
          tpu.vector_store %arg13[%swap3A_213], %get3A_212 {strides = array<i32>} : memref<24704xf32, #tpu.memory_space<vmem>>, vector<16xf32>,
          %mul3A_215 = arith.constant 128 : i32
          %mul3A_216 = arith.muli %select_n3A_151, %mul3A_215 : i32
          %add3A_217 = arith.constant 48 : i32
          %add3A_218 = arith.addi %mul3A_216, %add3A_217 : i32
          %get3A_219 = arith.index_cast %add3A_218 : i32 to index
          %get3A_220 = tpu.vector_load %arg12[%get3A_219] {strides = array<i32>} : memref<24704xi32, #tpu.memory_space<vmem>>, vector<16xi32>,
          %swap3A_221 = arith.constant 48 : index
          %swap3A_222 = tpu.vector_load %arg12[%swap3A_221] {strides = array<i32>} : memref<24704xi32, #tpu.memory_space<vmem>>, vector<16xi32>,
          tpu.vector_store %arg12[%swap3A_221], %get3A_220 {strides = array<i32>} : memref<24704xi32, #tpu.memory_space<vmem>>, vector<16xi32>,
          %mul3A_223 = arith.constant 128 : i32
          %mul3A_224 = arith.muli %select_n3A_151, %mul3A_223 : i32
          %add3A_225 = arith.constant 48 : i32
          %add3A_226 = arith.addi %mul3A_224, %add3A_225 : i32
          %get3A_227 = arith.index_cast %add3A_226 : i32 to index
          %get3A_228 = tpu.vector_load %arg13[%get3A_227] {strides = array<i32>} : memref<24704xf32, #tpu.memory_space<vmem>>, vector<16xf32>,
          %swap3A_229 = arith.constant 48 : index
          %swap3A_230 = tpu.vector_load %arg13[%swap3A_229] {strides = array<i32>} : memref<24704xf32, #tpu.memory_space<vmem>>, vector<16xf32>,
          tpu.vector_store %arg13[%swap3A_229], %get3A_228 {strides = array<i32>} : memref<24704xf32, #tpu.memory_space<vmem>>, vector<16xf32>,
          %mul3A_231 = arith.constant 128 : i32
          %mul3A_232 = arith.muli %select_n3A_151, %mul3A_231 : i32
          %add3A_233 = arith.constant 64 : i32
          %add3A_234 = arith.addi %mul3A_232, %add3A_233 : i32
          %get3A_235 = arith.index_cast %add3A_234 : i32 to index
          %get3A_236 = tpu.vector_load %arg12[%get3A_235] {strides = array<i32>} : memref<24704xi32, #tpu.memory_space<vmem>>, vector<16xi32>,
          %swap3A_237 = arith.constant 64 : index
          %swap3A_238 = tpu.vector_load %arg12[%swap3A_237] {strides = array<i32>} : memref<24704xi32, #tpu.memory_space<vmem>>, vector<16xi32>,
          tpu.vector_store %arg12[%swap3A_237], %get3A_236 {strides = array<i32>} : memref<24704xi32, #tpu.memory_space<vmem>>, vector<16xi32>,
          %mul3A_239 = arith.constant 128 : i32
          %mul3A_240 = arith.muli %select_n3A_151, %mul3A_239 : i32
          %add3A_241 = arith.constant 64 : i32
          %add3A_242 = arith.addi %mul3A_240, %add3A_241 : i32
          %get3A_243 = arith.index_cast %add3A_242 : i32 to index
          %get3A_244 = tpu.vector_load %arg13[%get3A_243] {strides = array<i32>} : memref<24704xf32, #tpu.memory_space<vmem>>, vector<16xf32>,
          %swap3A_245 = arith.constant 64 : index
          %swap3A_246 = tpu.vector_load %arg13[%swap3A_245] {strides = array<i32>} : memref<24704xf32, #tpu.memory_space<vmem>>, vector<16xf32>,
          tpu.vector_store %arg13[%swap3A_245], %get3A_244 {strides = array<i32>} : memref<24704xf32, #tpu.memory_space<vmem>>, vector<16xf32>,
          %mul3A_247 = arith.constant 128 : i32
          %mul3A_248 = arith.muli %select_n3A_151, %mul3A_247 : i32
          %add3A_249 = arith.constant 80 : i32
          %add3A_250 = arith.addi %mul3A_248, %add3A_249 : i32
          %get3A_251 = arith.index_cast %add3A_250 : i32 to index
          %get3A_252 = tpu.vector_load %arg12[%get3A_251] {strides = array<i32>} : memref<24704xi32, #tpu.memory_space<vmem>>, vector<16xi32>,
          %swap3A_253 = arith.constant 80 : index
          %swap3A_254 = tpu.vector_load %arg12[%swap3A_253] {strides = array<i32>} : memref<24704xi32, #tpu.memory_space<vmem>>, vector<16xi32>,
          tpu.vector_store %arg12[%swap3A_253], %get3A_252 {strides = array<i32>} : memref<24704xi32, #tpu.memory_space<vmem>>, vector<16xi32>,
          %mul3A_255 = arith.constant 128 : i32
          %mul3A_256 = arith.muli %select_n3A_151, %mul3A_255 : i32
          %add3A_257 = arith.constant 80 : i32
          %add3A_258 = arith.addi %mul3A_256, %add3A_257 : i32
          %get3A_259 = arith.index_cast %add3A_258 : i32 to index
          %get3A_260 = tpu.vector_load %arg13[%get3A_259] {strides = array<i32>} : memref<24704xf32, #tpu.memory_space<vmem>>, vector<16xf32>,
          %swap3A_261 = arith.constant 80 : index
          %swap3A_262 = tpu.vector_load %arg13[%swap3A_261] {strides = array<i32>} : memref<24704xf32, #tpu.memory_space<vmem>>, vector<16xf32>,
          tpu.vector_store %arg13[%swap3A_261], %get3A_260 {strides = array<i32>} : memref<24704xf32, #tpu.memory_space<vmem>>, vector<16xf32>,
          %mul3A_263 = arith.constant 128 : i32
          %mul3A_264 = arith.muli %select_n3A_151, %mul3A_263 : i32
          %add3A_265 = arith.constant 96 : i32
          %add3A_266 = arith.addi %mul3A_264, %add3A_265 : i32
          %get3A_267 = arith.index_cast %add3A_266 : i32 to index
          %get3A_268 = tpu.vector_load %arg12[%get3A_267] {strides = array<i32>} : memref<24704xi32, #tpu.memory_space<vmem>>, vector<16xi32>,
          %swap3A_269 = arith.constant 96 : index
          %swap3A_270 = tpu.vector_load %arg12[%swap3A_269] {strides = array<i32>} : memref<24704xi32, #tpu.memory_space<vmem>>, vector<16xi32>,
          tpu.vector_store %arg12[%swap3A_269], %get3A_268 {strides = array<i32>} : memref<24704xi32, #tpu.memory_space<vmem>>, vector<16xi32>,
          %mul3A_271 = arith.constant 128 : i32
          %mul3A_272 = arith.muli %select_n3A_151, %mul3A_271 : i32
          %add3A_273 = arith.constant 96 : i32
          %add3A_274 = arith.addi %mul3A_272, %add3A_273 : i32
          %get3A_275 = arith.index_cast %add3A_274 : i32 to index
          %get3A_276 = tpu.vector_load %arg13[%get3A_275] {strides = array<i32>} : memref<24704xf32, #tpu.memory_space<vmem>>, vector<16xf32>,
          %swap3A_277 = arith.constant 96 : index
          %swap3A_278 = tpu.vector_load %arg13[%swap3A_277] {strides = array<i32>} : memref<24704xf32, #tpu.memory_space<vmem>>, vector<16xf32>,
          tpu.vector_store %arg13[%swap3A_277], %get3A_276 {strides = array<i32>} : memref<24704xf32, #tpu.memory_space<vmem>>, vector<16xf32>,
          %mul3A_279 = arith.constant 128 : i32
          %mul3A_280 = arith.muli %select_n3A_151, %mul3A_279 : i32
          %add3A_281 = arith.constant 112 : i32
          %add3A_282 = arith.addi %mul3A_280, %add3A_281 : i32
          %get3A_283 = arith.index_cast %add3A_282 : i32 to index
          %get3A_284 = tpu.vector_load %arg12[%get3A_283] {strides = array<i32>} : memref<24704xi32, #tpu.memory_space<vmem>>, vector<16xi32>,
          %swap3A_285 = arith.constant 112 : index
          %swap3A_286 = tpu.vector_load %arg12[%swap3A_285] {strides = array<i32>} : memref<24704xi32, #tpu.memory_space<vmem>>, vector<16xi32>,
          tpu.vector_store %arg12[%swap3A_285], %get3A_284 {strides = array<i32>} : memref<24704xi32, #tpu.memory_space<vmem>>, vector<16xi32>,
          %mul3A_287 = arith.constant 128 : i32
          %mul3A_288 = arith.muli %select_n3A_151, %mul3A_287 : i32
          %add3A_289 = arith.constant 112 : i32
          %add3A_290 = arith.addi %mul3A_288, %add3A_289 : i32
          %get3A_291 = arith.index_cast %add3A_290 : i32 to index
          %get3A_292 = tpu.vector_load %arg13[%get3A_291] {strides = array<i32>} : memref<24704xf32, #tpu.memory_space<vmem>>, vector<16xf32>,
          %swap3A_293 = arith.constant 112 : index
          %swap3A_294 = tpu.vector_load %arg13[%swap3A_293] {strides = array<i32>} : memref<24704xf32, #tpu.memory_space<vmem>>, vector<16xf32>,
          tpu.vector_store %arg13[%swap3A_293], %get3A_292 {strides = array<i32>} : memref<24704xf32, #tpu.memory_space<vmem>>, vector<16xf32>,
          %cond3A_295 = arith.constant 1 : i32
          scf.yield %sub3A_166, %cond3A_295 : i32, i32
        } else {
          scf.yield %add3A_116, %scan3A_88 : i32, i32
        }
        scf.yield %cond3A_122#0, %cond3A_122#1 : i32, i32
      }
      %scan3A_85 = arith.constant 800 : i32
      scf.yield %scan3A_84#0, %scan3A_84#1 : i32, i32
    }
    %scan3A_58 = arith.constant 50 : i32
    %eq3A = arith.constant 0 : i32
    %eq3A_59 = arith.cmpi eq, %scan3A_57#1, %eq3A : i32
    %convert_element_type3A = arith.extui %eq3A_59 : i1 to i32
    %cond3A = arith.constant 0 : i32
    %cond3A_60 = arith.cmpi ne, %convert_element_type3A, %cond3A : i32
    scf.if %cond3A_60 {
      %while3A_65 = arith.constant 0 : i32
      %while3A_66 = arith.constant 0 : i32
      %while3A_67 = arith.subi %select_n3A, %while3A_65 : i32
      %while3A_68 = arith.addi %while3A_65, %while3A_67 : i32
      %while3A_69 = arith.constant 1 : i32
      %while3A_70 = arith.divsi %while3A_67, %while3A_69 : i32
      %while3A_71 = arith.muli %while3A_70, %while3A_69 : i32
      %while3A_72 = arith.addi %while3A_65, %while3A_71 : i32
      %while3A_73 = arith.constant 1 : i32
      %while3A_74 = scf.for %while3A_77 = %while3A_65 to %while3A_72 step %while3A_73 iter_args(%while3A_78 = %while3A_66) -> (i32)  : i32 {
        %dma_wait3A = tpu.memref_slice %arg6[%mul3A_9] : memref<100000000xf32, #tpu.memory_space<hbm>> -> memref<16384xf32, #tpu.memory_space<hbm>>
        %dma_wait3A_79 = tpu.memref_slice %arg6[%mul3A_9] : memref<100000000xf32, #tpu.memory_space<hbm>> -> memref<16384xf32, #tpu.memory_space<hbm>>
        tpu.wait_dma2 semaphore(%arg16 : memref<!tpu.dma_semaphore, #tpu.memory_space<semaphore_mem>>) src(%arg11 : memref<16384xf32, #tpu.memory_space<vmem>>) dst(%dma_wait3A_79 : memref<16384xf32, #tpu.memory_space<hbm>>)
        %while3A_80 = arith.constant 0 : i32
        scf.yield %while3A_80 : i32
      }
      %while3A_75 = arith.constant 1 : i32
      %while3A_76 = scf.for %while3A_77 = %while3A_72 to %while3A_68 step %while3A_75 iter_args(%while3A_78 = %while3A_74) -> (i32)  : i32 {
        %dma_wait3A = tpu.memref_slice %arg6[%mul3A_9] : memref<100000000xf32, #tpu.memory_space<hbm>> -> memref<16384xf32, #tpu.memory_space<hbm>>
        %dma_wait3A_79 = tpu.memref_slice %arg6[%mul3A_9] : memref<100000000xf32, #tpu.memory_space<hbm>> -> memref<16384xf32, #tpu.memory_space<hbm>>
        tpu.wait_dma2 semaphore(%arg16 : memref<!tpu.dma_semaphore, #tpu.memory_space<semaphore_mem>>) src(%arg11 : memref<16384xf32, #tpu.memory_space<vmem>>) dst(%dma_wait3A_79 : memref<16384xf32, #tpu.memory_space<hbm>>)
        %while3A_80 = arith.constant 0 : i32
        scf.yield %while3A_80 : i32
      }
    } else {
    }
    %gt3A = arith.constant 0 : i32
    %gt3A_61 = arith.cmpi sgt, %scan3A_57#0, %gt3A : i32
    %convert_element_type3A_62 = arith.extui %gt3A_61 : i1 to i32
    %cond3A_63 = arith.constant 0 : i32
    %cond3A_64 = arith.cmpi ne, %convert_element_type3A_62, %cond3A_63 : i32
    scf.if %cond3A_64 {
      %sub3A_65 = arith.constant 1 : i32
      %sub3A_66 = arith.subi %scan3A_57#0, %sub3A_65 : i32
      %jit3A_67 = arith.constant 16 : i32
      %div3A_68 = arith.divsi %sub3A_66, %jit3A_67 : i32
      %sign3A_69 = arith.constant 0 : i32
      %sign3A_70 = arith.cmpi sgt, %sub3A_66, %sign3A_69 : i32
      %sign3A_71 = arith.extui %sign3A_70 : i1 to i32
      %sign3A_72 = arith.constant 0 : i32
      %sign3A_73 = arith.cmpi slt, %sub3A_66, %sign3A_72 : i32
      %sign3A_74 = arith.extui %sign3A_73 : i1 to i32
      %sign3A_75 = arith.subi %sign3A_71, %sign3A_74 : i32
      %sign3A_76 = arith.constant 0 : i32
      %sign3A_77 = arith.cmpi sgt, %jit3A_67, %sign3A_76 : i32
      %sign3A_78 = arith.extui %sign3A_77 : i1 to i32
      %sign3A_79 = arith.constant 0 : i32
      %sign3A_80 = arith.cmpi slt, %jit3A_67, %sign3A_79 : i32
      %sign3A_81 = arith.extui %sign3A_80 : i1 to i32
      %sign3A_82 = arith.subi %sign3A_78, %sign3A_81 : i32
      %ne3A_83 = arith.cmpi ne, %sign3A_75, %sign3A_82 : i32
      %rem3A_84 = arith.remsi %sub3A_66, %jit3A_67 : i32
      %ne3A_85 = arith.constant 0 : i32
      %ne3A_86 = arith.cmpi ne, %rem3A_84, %ne3A_85 : i32
      %and3A_87 = arith.andi %ne3A_83, %ne3A_86 : i1
      %sub3A_88 = arith.constant 1 : i32
      %sub3A_89 = arith.subi %div3A_68, %sub3A_88 : i32
      %select_n3A_90 = arith.select %and3A_87, %sub3A_89, %div3A_68 : i32
      %mul3A_91 = arith.constant 16 : i32
      %mul3A_92 = arith.muli %select_n3A_90, %mul3A_91 : i32
      %sub3A_93 = arith.constant 1 : i32
      %sub3A_94 = arith.subi %scan3A_57#0, %sub3A_93 : i32
      %sub3A_95 = arith.subi %sub3A_94, %mul3A_92 : i32
      %iota3A = tpu.iota {dimensions = array<i32: 0>} : vector<16xi32>
      %eq3A_96 = vector.broadcast %sub3A_95 : i32 to vector<16xi32>
      %eq3A_97 = arith.cmpi eq, %iota3A, %eq3A_96 : vector<16xi32>
      %get3A = arith.index_cast %mul3A_92 : i32 to index
      %get3A_98 = tpu.vector_load %arg12[%get3A] {strides = array<i32>} : memref<24704xi32, #tpu.memory_space<vmem>>, vector<16xi32>,
      %jit3A_99 = arith.constant 0 : i32
      %broadcast_in_dim3A_100 = vector.broadcast %jit3A_99 : i32 to vector<16xi32>
      %select_n3A_101 = arith.select %eq3A_97, %get3A_98, %broadcast_in_dim3A_100 : vector<16xi1>, vector<16xi32>
      %reduce_sum3A = arith.constant true
      %reduce_sum3A_102 = vector.broadcast %reduce_sum3A : i1 to vector<16xi1>
      %reduce_sum3A_103 = tpu.scan <sum>, %select_n3A_101 masked %reduce_sum3A_102 : vector<16xi32>, vector<16xi1> -> vector<16xi32>
      %reduce_sum3A_104 = vector.extract %reduce_sum3A_103[15] : i32 from vector<16xi32>
      %get3A_105 = arith.index_cast %mul3A_92 : i32 to index
      %get3A_106 = tpu.vector_load %arg13[%get3A_105] {strides = array<i32>} : memref<24704xf32, #tpu.memory_space<vmem>>, vector<16xf32>,
      %jit3A_107 = arith.constant 0.000000e+00 : f32
      %broadcast_in_dim3A_108 = vector.broadcast %jit3A_107 : f32 to vector<16xf32>
      %select_n3A_109 = arith.select %eq3A_97, %get3A_106, %broadcast_in_dim3A_108 : vector<16xi1>, vector<16xf32>
      %reduce_sum3A_110 = arith.constant true
      %reduce_sum3A_111 = vector.broadcast %reduce_sum3A_110 : i1 to vector<16xi1>
      %reduce_sum3A_112 = tpu.scan <sum>, %select_n3A_109 masked %reduce_sum3A_111 : vector<16xf32>, vector<16xi1> -> vector<16xf32>
      %reduce_sum3A_113 = vector.extract %reduce_sum3A_112[15] : f32 from vector<16xf32>
      %iota3A_114 = tpu.iota {dimensions = array<i32: 0>} : vector<16xi32>
      %ge3A = arith.constant 0 : i32
      %ge3A_115 = vector.broadcast %ge3A : i32 to vector<16xi32>
      %ge3A_116 = arith.cmpi sge, %iota3A_114, %ge3A_115 : vector<16xi32>
      %add3A_117 = arith.constant 0 : i32
      %add3A_118 = arith.addi %scan3A_57#0, %add3A_117 : i32
      %broadcast_in_dim3A_119 = vector.broadcast %reduce_sum3A_104 : i32 to vector<16xi32>
      %swap3A = arith.index_cast %add3A_118 : i32 to index
      %swap3A_120 = tpu.vector_load %arg12[%swap3A] masked %ge3A_116 {strides = array<i32>} : memref<24704xi32, #tpu.memory_space<vmem>>, vector<16xi32>, vector<16xi1>
      tpu.vector_store %arg12[%swap3A], %broadcast_in_dim3A_119 masked %ge3A_116 {strides = array<i32>} : memref<24704xi32, #tpu.memory_space<vmem>>, vector<16xi32>, vector<16xi1>
      %add3A_121 = arith.constant 0 : i32
      %add3A_122 = arith.addi %scan3A_57#0, %add3A_121 : i32
      %broadcast_in_dim3A_123 = vector.broadcast %reduce_sum3A_113 : f32 to vector<16xf32>
      %swap3A_124 = arith.index_cast %add3A_122 : i32 to index
      %swap3A_125 = tpu.vector_load %arg13[%swap3A_124] masked %ge3A_116 {strides = array<i32>} : memref<24704xf32, #tpu.memory_space<vmem>>, vector<16xf32>, vector<16xi1>
      tpu.vector_store %arg13[%swap3A_124], %broadcast_in_dim3A_123 masked %ge3A_116 {strides = array<i32>} : memref<24704xf32, #tpu.memory_space<vmem>>, vector<16xf32>, vector<16xi1>
      %add3A_126 = arith.constant 16 : i32
      %add3A_127 = arith.addi %scan3A_57#0, %add3A_126 : i32
      %broadcast_in_dim3A_128 = vector.broadcast %reduce_sum3A_104 : i32 to vector<16xi32>
      %swap3A_129 = arith.index_cast %add3A_127 : i32 to index
      %swap3A_130 = tpu.vector_load %arg12[%swap3A_129] masked %ge3A_116 {strides = array<i32>} : memref<24704xi32, #tpu.memory_space<vmem>>, vector<16xi32>, vector<16xi1>
      tpu.vector_store %arg12[%swap3A_129], %broadcast_in_dim3A_128 masked %ge3A_116 {strides = array<i32>} : memref<24704xi32, #tpu.memory_space<vmem>>, vector<16xi32>, vector<16xi1>
      %add3A_131 = arith.constant 16 : i32
      %add3A_132 = arith.addi %scan3A_57#0, %add3A_131 : i32
      %broadcast_in_dim3A_133 = vector.broadcast %reduce_sum3A_113 : f32 to vector<16xf32>
      %swap3A_134 = arith.index_cast %add3A_132 : i32 to index
      %swap3A_135 = tpu.vector_load %arg13[%swap3A_134] masked %ge3A_116 {strides = array<i32>} : memref<24704xf32, #tpu.memory_space<vmem>>, vector<16xf32>, vector<16xi1>
      tpu.vector_store %arg13[%swap3A_134], %broadcast_in_dim3A_133 masked %ge3A_116 {strides = array<i32>} : memref<24704xf32, #tpu.memory_space<vmem>>, vector<16xf32>, vector<16xi1>
      %add3A_136 = arith.constant 32 : i32
      %add3A_137 = arith.addi %scan3A_57#0, %add3A_136 : i32
      %broadcast_in_dim3A_138 = vector.broadcast %reduce_sum3A_104 : i32 to vector<16xi32>
      %swap3A_139 = arith.index_cast %add3A_137 : i32 to index
      %swap3A_140 = tpu.vector_load %arg12[%swap3A_139] masked %ge3A_116 {strides = array<i32>} : memref<24704xi32, #tpu.memory_space<vmem>>, vector<16xi32>, vector<16xi1>
      tpu.vector_store %arg12[%swap3A_139], %broadcast_in_dim3A_138 masked %ge3A_116 {strides = array<i32>} : memref<24704xi32, #tpu.memory_space<vmem>>, vector<16xi32>, vector<16xi1>
      %add3A_141 = arith.constant 32 : i32
      %add3A_142 = arith.addi %scan3A_57#0, %add3A_141 : i32
      %broadcast_in_dim3A_143 = vector.broadcast %reduce_sum3A_113 : f32 to vector<16xf32>
      %swap3A_144 = arith.index_cast %add3A_142 : i32 to index
      %swap3A_145 = tpu.vector_load %arg13[%swap3A_144] masked %ge3A_116 {strides = array<i32>} : memref<24704xf32, #tpu.memory_space<vmem>>, vector<16xf32>, vector<16xi1>
      tpu.vector_store %arg13[%swap3A_144], %broadcast_in_dim3A_143 masked %ge3A_116 {strides = array<i32>} : memref<24704xf32, #tpu.memory_space<vmem>>, vector<16xf32>, vector<16xi1>
      %add3A_146 = arith.constant 48 : i32
      %add3A_147 = arith.addi %scan3A_57#0, %add3A_146 : i32
      %broadcast_in_dim3A_148 = vector.broadcast %reduce_sum3A_104 : i32 to vector<16xi32>
      %swap3A_149 = arith.index_cast %add3A_147 : i32 to index
      %swap3A_150 = tpu.vector_load %arg12[%swap3A_149] masked %ge3A_116 {strides = array<i32>} : memref<24704xi32, #tpu.memory_space<vmem>>, vector<16xi32>, vector<16xi1>
      tpu.vector_store %arg12[%swap3A_149], %broadcast_in_dim3A_148 masked %ge3A_116 {strides = array<i32>} : memref<24704xi32, #tpu.memory_space<vmem>>, vector<16xi32>, vector<16xi1>
      %add3A_151 = arith.constant 48 : i32
      %add3A_152 = arith.addi %scan3A_57#0, %add3A_151 : i32
      %broadcast_in_dim3A_153 = vector.broadcast %reduce_sum3A_113 : f32 to vector<16xf32>
      %swap3A_154 = arith.index_cast %add3A_152 : i32 to index
      %swap3A_155 = tpu.vector_load %arg13[%swap3A_154] masked %ge3A_116 {strides = array<i32>} : memref<24704xf32, #tpu.memory_space<vmem>>, vector<16xf32>, vector<16xi1>
      tpu.vector_store %arg13[%swap3A_154], %broadcast_in_dim3A_153 masked %ge3A_116 {strides = array<i32>} : memref<24704xf32, #tpu.memory_space<vmem>>, vector<16xf32>, vector<16xi1>
      %add3A_156 = arith.constant 64 : i32
      %add3A_157 = arith.addi %scan3A_57#0, %add3A_156 : i32
      %broadcast_in_dim3A_158 = vector.broadcast %reduce_sum3A_104 : i32 to vector<16xi32>
      %swap3A_159 = arith.index_cast %add3A_157 : i32 to index
      %swap3A_160 = tpu.vector_load %arg12[%swap3A_159] masked %ge3A_116 {strides = array<i32>} : memref<24704xi32, #tpu.memory_space<vmem>>, vector<16xi32>, vector<16xi1>
      tpu.vector_store %arg12[%swap3A_159], %broadcast_in_dim3A_158 masked %ge3A_116 {strides = array<i32>} : memref<24704xi32, #tpu.memory_space<vmem>>, vector<16xi32>, vector<16xi1>
      %add3A_161 = arith.constant 64 : i32
      %add3A_162 = arith.addi %scan3A_57#0, %add3A_161 : i32
      %broadcast_in_dim3A_163 = vector.broadcast %reduce_sum3A_113 : f32 to vector<16xf32>
      %swap3A_164 = arith.index_cast %add3A_162 : i32 to index
      %swap3A_165 = tpu.vector_load %arg13[%swap3A_164] masked %ge3A_116 {strides = array<i32>} : memref<24704xf32, #tpu.memory_space<vmem>>, vector<16xf32>, vector<16xi1>
      tpu.vector_store %arg13[%swap3A_164], %broadcast_in_dim3A_163 masked %ge3A_116 {strides = array<i32>} : memref<24704xf32, #tpu.memory_space<vmem>>, vector<16xf32>, vector<16xi1>
      %add3A_166 = arith.constant 80 : i32
      %add3A_167 = arith.addi %scan3A_57#0, %add3A_166 : i32
      %broadcast_in_dim3A_168 = vector.broadcast %reduce_sum3A_104 : i32 to vector<16xi32>
      %swap3A_169 = arith.index_cast %add3A_167 : i32 to index
      %swap3A_170 = tpu.vector_load %arg12[%swap3A_169] masked %ge3A_116 {strides = array<i32>} : memref<24704xi32, #tpu.memory_space<vmem>>, vector<16xi32>, vector<16xi1>
      tpu.vector_store %arg12[%swap3A_169], %broadcast_in_dim3A_168 masked %ge3A_116 {strides = array<i32>} : memref<24704xi32, #tpu.memory_space<vmem>>, vector<16xi32>, vector<16xi1>
      %add3A_171 = arith.constant 80 : i32
      %add3A_172 = arith.addi %scan3A_57#0, %add3A_171 : i32
      %broadcast_in_dim3A_173 = vector.broadcast %reduce_sum3A_113 : f32 to vector<16xf32>
      %swap3A_174 = arith.index_cast %add3A_172 : i32 to index
      %swap3A_175 = tpu.vector_load %arg13[%swap3A_174] masked %ge3A_116 {strides = array<i32>} : memref<24704xf32, #tpu.memory_space<vmem>>, vector<16xf32>, vector<16xi1>
      tpu.vector_store %arg13[%swap3A_174], %broadcast_in_dim3A_173 masked %ge3A_116 {strides = array<i32>} : memref<24704xf32, #tpu.memory_space<vmem>>, vector<16xf32>, vector<16xi1>
      %add3A_176 = arith.constant 96 : i32
      %add3A_177 = arith.addi %scan3A_57#0, %add3A_176 : i32
      %broadcast_in_dim3A_178 = vector.broadcast %reduce_sum3A_104 : i32 to vector<16xi32>
      %swap3A_179 = arith.index_cast %add3A_177 : i32 to index
      %swap3A_180 = tpu.vector_load %arg12[%swap3A_179] masked %ge3A_116 {strides = array<i32>} : memref<24704xi32, #tpu.memory_space<vmem>>, vector<16xi32>, vector<16xi1>
      tpu.vector_store %arg12[%swap3A_179], %broadcast_in_dim3A_178 masked %ge3A_116 {strides = array<i32>} : memref<24704xi32, #tpu.memory_space<vmem>>, vector<16xi32>, vector<16xi1>
      %add3A_181 = arith.constant 96 : i32
      %add3A_182 = arith.addi %scan3A_57#0, %add3A_181 : i32
      %broadcast_in_dim3A_183 = vector.broadcast %reduce_sum3A_113 : f32 to vector<16xf32>
      %swap3A_184 = arith.index_cast %add3A_182 : i32 to index
      %swap3A_185 = tpu.vector_load %arg13[%swap3A_184] masked %ge3A_116 {strides = array<i32>} : memref<24704xf32, #tpu.memory_space<vmem>>, vector<16xf32>, vector<16xi1>
      tpu.vector_store %arg13[%swap3A_184], %broadcast_in_dim3A_183 masked %ge3A_116 {strides = array<i32>} : memref<24704xf32, #tpu.memory_space<vmem>>, vector<16xf32>, vector<16xi1>
      %add3A_186 = arith.constant 112 : i32
      %add3A_187 = arith.addi %scan3A_57#0, %add3A_186 : i32
      %broadcast_in_dim3A_188 = vector.broadcast %reduce_sum3A_104 : i32 to vector<16xi32>
      %swap3A_189 = arith.index_cast %add3A_187 : i32 to index
      %swap3A_190 = tpu.vector_load %arg12[%swap3A_189] masked %ge3A_116 {strides = array<i32>} : memref<24704xi32, #tpu.memory_space<vmem>>, vector<16xi32>, vector<16xi1>
      tpu.vector_store %arg12[%swap3A_189], %broadcast_in_dim3A_188 masked %ge3A_116 {strides = array<i32>} : memref<24704xi32, #tpu.memory_space<vmem>>, vector<16xi32>, vector<16xi1>
      %add3A_191 = arith.constant 112 : i32
      %add3A_192 = arith.addi %scan3A_57#0, %add3A_191 : i32
      %broadcast_in_dim3A_193 = vector.broadcast %reduce_sum3A_113 : f32 to vector<16xf32>
      %swap3A_194 = arith.index_cast %add3A_192 : i32 to index
      %swap3A_195 = tpu.vector_load %arg13[%swap3A_194] masked %ge3A_116 {strides = array<i32>} : memref<24704xf32, #tpu.memory_space<vmem>>, vector<16xf32>, vector<16xi1>
      tpu.vector_store %arg13[%swap3A_194], %broadcast_in_dim3A_193 masked %ge3A_116 {strides = array<i32>} : memref<24704xf32, #tpu.memory_space<vmem>>, vector<16xf32>, vector<16xi1>
      %add3A_196 = arith.constant 128 : i32
      %add3A_197 = arith.addi %scan3A_57#0, %add3A_196 : i32
      %sub3A_198 = arith.constant 1 : i32
      %sub3A_199 = arith.subi %add3A_197, %sub3A_198 : i32
      %jit3A_200 = arith.constant 128 : i32
      %div3A_201 = arith.divsi %sub3A_199, %jit3A_200 : i32
      %sign3A_202 = arith.constant 0 : i32
      %sign3A_203 = arith.cmpi sgt, %sub3A_199, %sign3A_202 : i32
      %sign3A_204 = arith.extui %sign3A_203 : i1 to i32
      %sign3A_205 = arith.constant 0 : i32
      %sign3A_206 = arith.cmpi slt, %sub3A_199, %sign3A_205 : i32
      %sign3A_207 = arith.extui %sign3A_206 : i1 to i32
      %sign3A_208 = arith.subi %sign3A_204, %sign3A_207 : i32
      %sign3A_209 = arith.constant 0 : i32
      %sign3A_210 = arith.cmpi sgt, %jit3A_200, %sign3A_209 : i32
      %sign3A_211 = arith.extui %sign3A_210 : i1 to i32
      %sign3A_212 = arith.constant 0 : i32
      %sign3A_213 = arith.cmpi slt, %jit3A_200, %sign3A_212 : i32
      %sign3A_214 = arith.extui %sign3A_213 : i1 to i32
      %sign3A_215 = arith.subi %sign3A_211, %sign3A_214 : i32
      %ne3A_216 = arith.cmpi ne, %sign3A_208, %sign3A_215 : i32
      %rem3A_217 = arith.remsi %sub3A_199, %jit3A_200 : i32
      %ne3A_218 = arith.constant 0 : i32
      %ne3A_219 = arith.cmpi ne, %rem3A_217, %ne3A_218 : i32
      %and3A_220 = arith.andi %ne3A_216, %ne3A_219 : i1
      %sub3A_221 = arith.constant 1 : i32
      %sub3A_222 = arith.subi %div3A_201, %sub3A_221 : i32
      %select_n3A_223 = arith.select %and3A_220, %sub3A_222, %div3A_201 : i32
      %while3A_224 = arith.constant 0 : i32
      %while3A_225 = arith.constant 0 : i32
      %while3A_226 = arith.subi %select_n3A_223, %while3A_224 : i32
      %while3A_227 = arith.addi %while3A_224, %while3A_226 : i32
      %while3A_228 = arith.constant 1 : i32
      %while3A_229 = arith.divsi %while3A_226, %while3A_228 : i32
      %while3A_230 = arith.muli %while3A_229, %while3A_228 : i32
      %while3A_231 = arith.addi %while3A_224, %while3A_230 : i32
      %while3A_232 = arith.constant 1 : i32
      %while3A_233 = scf.for %while3A_236 = %while3A_224 to %while3A_231 step %while3A_232 iter_args(%while3A_237 = %while3A_225) -> (i32)  : i32 {
        %mul3A_238 = arith.constant 128 : i32
        %mul3A_239 = arith.muli %while3A_236, %mul3A_238 : i32
        %add3A_240 = arith.constant 0 : i32
        %add3A_241 = arith.addi %mul3A_239, %add3A_240 : i32
        %get3A_242 = arith.index_cast %add3A_241 : i32 to index
        %get3A_243 = tpu.vector_load %arg12[%get3A_242] {strides = array<i32>} : memref<24704xi32, #tpu.memory_space<vmem>>, vector<16xi32>,
        %swap3A_244 = arith.constant 0 : index
        %swap3A_245 = tpu.vector_load %arg14[%swap3A_244] {strides = array<i32>} : memref<128xi32, #tpu.memory_space<vmem>>, vector<16xi32>,
        tpu.vector_store %arg14[%swap3A_244], %get3A_243 {strides = array<i32>} : memref<128xi32, #tpu.memory_space<vmem>>, vector<16xi32>,
        %add3A_246 = arith.constant 0 : i32
        %add3A_247 = arith.addi %mul3A_239, %add3A_246 : i32
        %get3A_248 = arith.index_cast %add3A_247 : i32 to index
        %get3A_249 = tpu.vector_load %arg13[%get3A_248] {strides = array<i32>} : memref<24704xf32, #tpu.memory_space<vmem>>, vector<16xf32>,
        %swap3A_250 = arith.constant 0 : index
        %swap3A_251 = tpu.vector_load %arg15[%swap3A_250] {strides = array<i32>} : memref<128xf32, #tpu.memory_space<vmem>>, vector<16xf32>,
        tpu.vector_store %arg15[%swap3A_250], %get3A_249 {strides = array<i32>} : memref<128xf32, #tpu.memory_space<vmem>>, vector<16xf32>,
        %add3A_252 = arith.constant 16 : i32
        %add3A_253 = arith.addi %mul3A_239, %add3A_252 : i32
        %get3A_254 = arith.index_cast %add3A_253 : i32 to index
        %get3A_255 = tpu.vector_load %arg12[%get3A_254] {strides = array<i32>} : memref<24704xi32, #tpu.memory_space<vmem>>, vector<16xi32>,
        %swap3A_256 = arith.constant 16 : index
        %swap3A_257 = tpu.vector_load %arg14[%swap3A_256] {strides = array<i32>} : memref<128xi32, #tpu.memory_space<vmem>>, vector<16xi32>,
        tpu.vector_store %arg14[%swap3A_256], %get3A_255 {strides = array<i32>} : memref<128xi32, #tpu.memory_space<vmem>>, vector<16xi32>,
        %add3A_258 = arith.constant 16 : i32
        %add3A_259 = arith.addi %mul3A_239, %add3A_258 : i32
        %get3A_260 = arith.index_cast %add3A_259 : i32 to index
        %get3A_261 = tpu.vector_load %arg13[%get3A_260] {strides = array<i32>} : memref<24704xf32, #tpu.memory_space<vmem>>, vector<16xf32>,
        %swap3A_262 = arith.constant 16 : index
        %swap3A_263 = tpu.vector_load %arg15[%swap3A_262] {strides = array<i32>} : memref<128xf32, #tpu.memory_space<vmem>>, vector<16xf32>,
        tpu.vector_store %arg15[%swap3A_262], %get3A_261 {strides = array<i32>} : memref<128xf32, #tpu.memory_space<vmem>>, vector<16xf32>,
        %add3A_264 = arith.constant 32 : i32
        %add3A_265 = arith.addi %mul3A_239, %add3A_264 : i32
        %get3A_266 = arith.index_cast %add3A_265 : i32 to index
        %get3A_267 = tpu.vector_load %arg12[%get3A_266] {strides = array<i32>} : memref<24704xi32, #tpu.memory_space<vmem>>, vector<16xi32>,
        %swap3A_268 = arith.constant 32 : index
        %swap3A_269 = tpu.vector_load %arg14[%swap3A_268] {strides = array<i32>} : memref<128xi32, #tpu.memory_space<vmem>>, vector<16xi32>,
        tpu.vector_store %arg14[%swap3A_268], %get3A_267 {strides = array<i32>} : memref<128xi32, #tpu.memory_space<vmem>>, vector<16xi32>,
        %add3A_270 = arith.constant 32 : i32
        %add3A_271 = arith.addi %mul3A_239, %add3A_270 : i32
        %get3A_272 = arith.index_cast %add3A_271 : i32 to index
        %get3A_273 = tpu.vector_load %arg13[%get3A_272] {strides = array<i32>} : memref<24704xf32, #tpu.memory_space<vmem>>, vector<16xf32>,
        %swap3A_274 = arith.constant 32 : index
        %swap3A_275 = tpu.vector_load %arg15[%swap3A_274] {strides = array<i32>} : memref<128xf32, #tpu.memory_space<vmem>>, vector<16xf32>,
        tpu.vector_store %arg15[%swap3A_274], %get3A_273 {strides = array<i32>} : memref<128xf32, #tpu.memory_space<vmem>>, vector<16xf32>,
        %add3A_276 = arith.constant 48 : i32
        %add3A_277 = arith.addi %mul3A_239, %add3A_276 : i32
        %get3A_278 = arith.index_cast %add3A_277 : i32 to index
        %get3A_279 = tpu.vector_load %arg12[%get3A_278] {strides = array<i32>} : memref<24704xi32, #tpu.memory_space<vmem>>, vector<16xi32>,
        %swap3A_280 = arith.constant 48 : index
        %swap3A_281 = tpu.vector_load %arg14[%swap3A_280] {strides = array<i32>} : memref<128xi32, #tpu.memory_space<vmem>>, vector<16xi32>,
        tpu.vector_store %arg14[%swap3A_280], %get3A_279 {strides = array<i32>} : memref<128xi32, #tpu.memory_space<vmem>>, vector<16xi32>,
        %add3A_282 = arith.constant 48 : i32
        %add3A_283 = arith.addi %mul3A_239, %add3A_282 : i32
        %get3A_284 = arith.index_cast %add3A_283 : i32 to index
        %get3A_285 = tpu.vector_load %arg13[%get3A_284] {strides = array<i32>} : memref<24704xf32, #tpu.memory_space<vmem>>, vector<16xf32>,
        %swap3A_286 = arith.constant 48 : index
        %swap3A_287 = tpu.vector_load %arg15[%swap3A_286] {strides = array<i32>} : memref<128xf32, #tpu.memory_space<vmem>>, vector<16xf32>,
        tpu.vector_store %arg15[%swap3A_286], %get3A_285 {strides = array<i32>} : memref<128xf32, #tpu.memory_space<vmem>>, vector<16xf32>,
        %add3A_288 = arith.constant 64 : i32
        %add3A_289 = arith.addi %mul3A_239, %add3A_288 : i32
        %get3A_290 = arith.index_cast %add3A_289 : i32 to index
        %get3A_291 = tpu.vector_load %arg12[%get3A_290] {strides = array<i32>} : memref<24704xi32, #tpu.memory_space<vmem>>, vector<16xi32>,
        %swap3A_292 = arith.constant 64 : index
        %swap3A_293 = tpu.vector_load %arg14[%swap3A_292] {strides = array<i32>} : memref<128xi32, #tpu.memory_space<vmem>>, vector<16xi32>,
        tpu.vector_store %arg14[%swap3A_292], %get3A_291 {strides = array<i32>} : memref<128xi32, #tpu.memory_space<vmem>>, vector<16xi32>,
        %add3A_294 = arith.constant 64 : i32
        %add3A_295 = arith.addi %mul3A_239, %add3A_294 : i32
        %get3A_296 = arith.index_cast %add3A_295 : i32 to index
        %get3A_297 = tpu.vector_load %arg13[%get3A_296] {strides = array<i32>} : memref<24704xf32, #tpu.memory_space<vmem>>, vector<16xf32>,
        %swap3A_298 = arith.constant 64 : index
        %swap3A_299 = tpu.vector_load %arg15[%swap3A_298] {strides = array<i32>} : memref<128xf32, #tpu.memory_space<vmem>>, vector<16xf32>,
        tpu.vector_store %arg15[%swap3A_298], %get3A_297 {strides = array<i32>} : memref<128xf32, #tpu.memory_space<vmem>>, vector<16xf32>,
        %add3A_300 = arith.constant 80 : i32
        %add3A_301 = arith.addi %mul3A_239, %add3A_300 : i32
        %get3A_302 = arith.index_cast %add3A_301 : i32 to index
        %get3A_303 = tpu.vector_load %arg12[%get3A_302] {strides = array<i32>} : memref<24704xi32, #tpu.memory_space<vmem>>, vector<16xi32>,
        %swap3A_304 = arith.constant 80 : index
        %swap3A_305 = tpu.vector_load %arg14[%swap3A_304] {strides = array<i32>} : memref<128xi32, #tpu.memory_space<vmem>>, vector<16xi32>,
        tpu.vector_store %arg14[%swap3A_304], %get3A_303 {strides = array<i32>} : memref<128xi32, #tpu.memory_space<vmem>>, vector<16xi32>,
        %add3A_306 = arith.constant 80 : i32
        %add3A_307 = arith.addi %mul3A_239, %add3A_306 : i32
        %get3A_308 = arith.index_cast %add3A_307 : i32 to index
        %get3A_309 = tpu.vector_load %arg13[%get3A_308] {strides = array<i32>} : memref<24704xf32, #tpu.memory_space<vmem>>, vector<16xf32>,
        %swap3A_310 = arith.constant 80 : index
        %swap3A_311 = tpu.vector_load %arg15[%swap3A_310] {strides = array<i32>} : memref<128xf32, #tpu.memory_space<vmem>>, vector<16xf32>,
        tpu.vector_store %arg15[%swap3A_310], %get3A_309 {strides = array<i32>} : memref<128xf32, #tpu.memory_space<vmem>>, vector<16xf32>,
        %add3A_312 = arith.constant 96 : i32
        %add3A_313 = arith.addi %mul3A_239, %add3A_312 : i32
        %get3A_314 = arith.index_cast %add3A_313 : i32 to index
        %get3A_315 = tpu.vector_load %arg12[%get3A_314] {strides = array<i32>} : memref<24704xi32, #tpu.memory_space<vmem>>, vector<16xi32>,
        %swap3A_316 = arith.constant 96 : index
        %swap3A_317 = tpu.vector_load %arg14[%swap3A_316] {strides = array<i32>} : memref<128xi32, #tpu.memory_space<vmem>>, vector<16xi32>,
        tpu.vector_store %arg14[%swap3A_316], %get3A_315 {strides = array<i32>} : memref<128xi32, #tpu.memory_space<vmem>>, vector<16xi32>,
        %add3A_318 = arith.constant 96 : i32
        %add3A_319 = arith.addi %mul3A_239, %add3A_318 : i32
        %get3A_320 = arith.index_cast %add3A_319 : i32 to index
        %get3A_321 = tpu.vector_load %arg13[%get3A_320] {strides = array<i32>} : memref<24704xf32, #tpu.memory_space<vmem>>, vector<16xf32>,
        %swap3A_322 = arith.constant 96 : index
        %swap3A_323 = tpu.vector_load %arg15[%swap3A_322] {strides = array<i32>} : memref<128xf32, #tpu.memory_space<vmem>>, vector<16xf32>,
        tpu.vector_store %arg15[%swap3A_322], %get3A_321 {strides = array<i32>} : memref<128xf32, #tpu.memory_space<vmem>>, vector<16xf32>,
        %add3A_324 = arith.constant 112 : i32
        %add3A_325 = arith.addi %mul3A_239, %add3A_324 : i32
        %get3A_326 = arith.index_cast %add3A_325 : i32 to index
        %get3A_327 = tpu.vector_load %arg12[%get3A_326] {strides = array<i32>} : memref<24704xi32, #tpu.memory_space<vmem>>, vector<16xi32>,
        %swap3A_328 = arith.constant 112 : index
        %swap3A_329 = tpu.vector_load %arg14[%swap3A_328] {strides = array<i32>} : memref<128xi32, #tpu.memory_space<vmem>>, vector<16xi32>,
        tpu.vector_store %arg14[%swap3A_328], %get3A_327 {strides = array<i32>} : memref<128xi32, #tpu.memory_space<vmem>>, vector<16xi32>,
        %add3A_330 = arith.constant 112 : i32
        %add3A_331 = arith.addi %mul3A_239, %add3A_330 : i32
        %get3A_332 = arith.index_cast %add3A_331 : i32 to index
        %get3A_333 = tpu.vector_load %arg13[%get3A_332] {strides = array<i32>} : memref<24704xf32, #tpu.memory_space<vmem>>, vector<16xf32>,
        %swap3A_334 = arith.constant 112 : index
        %swap3A_335 = tpu.vector_load %arg15[%swap3A_334] {strides = array<i32>} : memref<128xf32, #tpu.memory_space<vmem>>, vector<16xf32>,
        tpu.vector_store %arg15[%swap3A_334], %get3A_333 {strides = array<i32>} : memref<128xf32, #tpu.memory_space<vmem>>, vector<16xf32>,
        %dma_start3A = arith.constant 0 : i32
        %dma_start3A_336 = tpu.memref_slice %arg6[%dma_start3A] : memref<100000000xf32, #tpu.memory_space<hbm>> -> memref<100000000xf32, #tpu.memory_space<hbm>>
        tpu.enqueue_indirect_dma source(%arg15 : memref<128xf32, #tpu.memory_space<vmem>>) target(%dma_start3A_336 : memref<100000000xf32, #tpu.memory_space<hbm>>) offsets(%arg14 : memref<128xi32, #tpu.memory_space<vmem>>) semaphore(%arg18 : memref<!tpu.dma_semaphore, #tpu.memory_space<semaphore_mem>>)
        %dma_wait3A = arith.constant 0 : i32
        %dma_wait3A_337 = tpu.memref_slice %arg6[%dma_wait3A] : memref<100000000xf32, #tpu.memory_space<hbm>> -> memref<100000000xf32, #tpu.memory_space<hbm>>
        tpu.wait_indirect_dma semaphore(%arg18 : memref<!tpu.dma_semaphore, #tpu.memory_space<semaphore_mem>>) src(%arg15 : memref<128xf32, #tpu.memory_space<vmem>>) dst(%dma_wait3A_337 : memref<100000000xf32, #tpu.memory_space<hbm>>)
        %while3A_338 = arith.constant 0 : i32
        scf.yield %while3A_338 : i32
      }
      %while3A_234 = arith.constant 1 : i32
      %while3A_235 = scf.for %while3A_236 = %while3A_231 to %while3A_227 step %while3A_234 iter_args(%while3A_237 = %while3A_233) -> (i32)  : i32 {
        %mul3A_238 = arith.constant 128 : i32
        %mul3A_239 = arith.muli %while3A_236, %mul3A_238 : i32
        %add3A_240 = arith.constant 0 : i32
        %add3A_241 = arith.addi %mul3A_239, %add3A_240 : i32
        %get3A_242 = arith.index_cast %add3A_241 : i32 to index
        %get3A_243 = tpu.vector_load %arg12[%get3A_242] {strides = array<i32>} : memref<24704xi32, #tpu.memory_space<vmem>>, vector<16xi32>,
        %swap3A_244 = arith.constant 0 : index
        %swap3A_245 = tpu.vector_load %arg14[%swap3A_244] {strides = array<i32>} : memref<128xi32, #tpu.memory_space<vmem>>, vector<16xi32>,
        tpu.vector_store %arg14[%swap3A_244], %get3A_243 {strides = array<i32>} : memref<128xi32, #tpu.memory_space<vmem>>, vector<16xi32>,
        %add3A_246 = arith.constant 0 : i32
        %add3A_247 = arith.addi %mul3A_239, %add3A_246 : i32
        %get3A_248 = arith.index_cast %add3A_247 : i32 to index
        %get3A_249 = tpu.vector_load %arg13[%get3A_248] {strides = array<i32>} : memref<24704xf32, #tpu.memory_space<vmem>>, vector<16xf32>,
        %swap3A_250 = arith.constant 0 : index
        %swap3A_251 = tpu.vector_load %arg15[%swap3A_250] {strides = array<i32>} : memref<128xf32, #tpu.memory_space<vmem>>, vector<16xf32>,
        tpu.vector_store %arg15[%swap3A_250], %get3A_249 {strides = array<i32>} : memref<128xf32, #tpu.memory_space<vmem>>, vector<16xf32>,
        %add3A_252 = arith.constant 16 : i32
        %add3A_253 = arith.addi %mul3A_239, %add3A_252 : i32
        %get3A_254 = arith.index_cast %add3A_253 : i32 to index
        %get3A_255 = tpu.vector_load %arg12[%get3A_254] {strides = array<i32>} : memref<24704xi32, #tpu.memory_space<vmem>>, vector<16xi32>,
        %swap3A_256 = arith.constant 16 : index
        %swap3A_257 = tpu.vector_load %arg14[%swap3A_256] {strides = array<i32>} : memref<128xi32, #tpu.memory_space<vmem>>, vector<16xi32>,
        tpu.vector_store %arg14[%swap3A_256], %get3A_255 {strides = array<i32>} : memref<128xi32, #tpu.memory_space<vmem>>, vector<16xi32>,
        %add3A_258 = arith.constant 16 : i32
        %add3A_259 = arith.addi %mul3A_239, %add3A_258 : i32
        %get3A_260 = arith.index_cast %add3A_259 : i32 to index
        %get3A_261 = tpu.vector_load %arg13[%get3A_260] {strides = array<i32>} : memref<24704xf32, #tpu.memory_space<vmem>>, vector<16xf32>,
        %swap3A_262 = arith.constant 16 : index
        %swap3A_263 = tpu.vector_load %arg15[%swap3A_262] {strides = array<i32>} : memref<128xf32, #tpu.memory_space<vmem>>, vector<16xf32>,
        tpu.vector_store %arg15[%swap3A_262], %get3A_261 {strides = array<i32>} : memref<128xf32, #tpu.memory_space<vmem>>, vector<16xf32>,
        %add3A_264 = arith.constant 32 : i32
        %add3A_265 = arith.addi %mul3A_239, %add3A_264 : i32
        %get3A_266 = arith.index_cast %add3A_265 : i32 to index
        %get3A_267 = tpu.vector_load %arg12[%get3A_266] {strides = array<i32>} : memref<24704xi32, #tpu.memory_space<vmem>>, vector<16xi32>,
        %swap3A_268 = arith.constant 32 : index
        %swap3A_269 = tpu.vector_load %arg14[%swap3A_268] {strides = array<i32>} : memref<128xi32, #tpu.memory_space<vmem>>, vector<16xi32>,
        tpu.vector_store %arg14[%swap3A_268], %get3A_267 {strides = array<i32>} : memref<128xi32, #tpu.memory_space<vmem>>, vector<16xi32>,
        %add3A_270 = arith.constant 32 : i32
        %add3A_271 = arith.addi %mul3A_239, %add3A_270 : i32
        %get3A_272 = arith.index_cast %add3A_271 : i32 to index
        %get3A_273 = tpu.vector_load %arg13[%get3A_272] {strides = array<i32>} : memref<24704xf32, #tpu.memory_space<vmem>>, vector<16xf32>,
        %swap3A_274 = arith.constant 32 : index
        %swap3A_275 = tpu.vector_load %arg15[%swap3A_274] {strides = array<i32>} : memref<128xf32, #tpu.memory_space<vmem>>, vector<16xf32>,
        tpu.vector_store %arg15[%swap3A_274], %get3A_273 {strides = array<i32>} : memref<128xf32, #tpu.memory_space<vmem>>, vector<16xf32>,
        %add3A_276 = arith.constant 48 : i32
        %add3A_277 = arith.addi %mul3A_239, %add3A_276 : i32
        %get3A_278 = arith.index_cast %add3A_277 : i32 to index
        %get3A_279 = tpu.vector_load %arg12[%get3A_278] {strides = array<i32>} : memref<24704xi32, #tpu.memory_space<vmem>>, vector<16xi32>,
        %swap3A_280 = arith.constant 48 : index
        %swap3A_281 = tpu.vector_load %arg14[%swap3A_280] {strides = array<i32>} : memref<128xi32, #tpu.memory_space<vmem>>, vector<16xi32>,
        tpu.vector_store %arg14[%swap3A_280], %get3A_279 {strides = array<i32>} : memref<128xi32, #tpu.memory_space<vmem>>, vector<16xi32>,
        %add3A_282 = arith.constant 48 : i32
        %add3A_283 = arith.addi %mul3A_239, %add3A_282 : i32
        %get3A_284 = arith.index_cast %add3A_283 : i32 to index
        %get3A_285 = tpu.vector_load %arg13[%get3A_284] {strides = array<i32>} : memref<24704xf32, #tpu.memory_space<vmem>>, vector<16xf32>,
        %swap3A_286 = arith.constant 48 : index
        %swap3A_287 = tpu.vector_load %arg15[%swap3A_286] {strides = array<i32>} : memref<128xf32, #tpu.memory_space<vmem>>, vector<16xf32>,
        tpu.vector_store %arg15[%swap3A_286], %get3A_285 {strides = array<i32>} : memref<128xf32, #tpu.memory_space<vmem>>, vector<16xf32>,
        %add3A_288 = arith.constant 64 : i32
        %add3A_289 = arith.addi %mul3A_239, %add3A_288 : i32
        %get3A_290 = arith.index_cast %add3A_289 : i32 to index
        %get3A_291 = tpu.vector_load %arg12[%get3A_290] {strides = array<i32>} : memref<24704xi32, #tpu.memory_space<vmem>>, vector<16xi32>,
        %swap3A_292 = arith.constant 64 : index
        %swap3A_293 = tpu.vector_load %arg14[%swap3A_292] {strides = array<i32>} : memref<128xi32, #tpu.memory_space<vmem>>, vector<16xi32>,
        tpu.vector_store %arg14[%swap3A_292], %get3A_291 {strides = array<i32>} : memref<128xi32, #tpu.memory_space<vmem>>, vector<16xi32>,
        %add3A_294 = arith.constant 64 : i32
        %add3A_295 = arith.addi %mul3A_239, %add3A_294 : i32
        %get3A_296 = arith.index_cast %add3A_295 : i32 to index
        %get3A_297 = tpu.vector_load %arg13[%get3A_296] {strides = array<i32>} : memref<24704xf32, #tpu.memory_space<vmem>>, vector<16xf32>,
        %swap3A_298 = arith.constant 64 : index
        %swap3A_299 = tpu.vector_load %arg15[%swap3A_298] {strides = array<i32>} : memref<128xf32, #tpu.memory_space<vmem>>, vector<16xf32>,
        tpu.vector_store %arg15[%swap3A_298], %get3A_297 {strides = array<i32>} : memref<128xf32, #tpu.memory_space<vmem>>, vector<16xf32>,
        %add3A_300 = arith.constant 80 : i32
        %add3A_301 = arith.addi %mul3A_239, %add3A_300 : i32
        %get3A_302 = arith.index_cast %add3A_301 : i32 to index
        %get3A_303 = tpu.vector_load %arg12[%get3A_302] {strides = array<i32>} : memref<24704xi32, #tpu.memory_space<vmem>>, vector<16xi32>,
        %swap3A_304 = arith.constant 80 : index
        %swap3A_305 = tpu.vector_load %arg14[%swap3A_304] {strides = array<i32>} : memref<128xi32, #tpu.memory_space<vmem>>, vector<16xi32>,
        tpu.vector_store %arg14[%swap3A_304], %get3A_303 {strides = array<i32>} : memref<128xi32, #tpu.memory_space<vmem>>, vector<16xi32>,
        %add3A_306 = arith.constant 80 : i32
        %add3A_307 = arith.addi %mul3A_239, %add3A_306 : i32
        %get3A_308 = arith.index_cast %add3A_307 : i32 to index
        %get3A_309 = tpu.vector_load %arg13[%get3A_308] {strides = array<i32>} : memref<24704xf32, #tpu.memory_space<vmem>>, vector<16xf32>,
        %swap3A_310 = arith.constant 80 : index
        %swap3A_311 = tpu.vector_load %arg15[%swap3A_310] {strides = array<i32>} : memref<128xf32, #tpu.memory_space<vmem>>, vector<16xf32>,
        tpu.vector_store %arg15[%swap3A_310], %get3A_309 {strides = array<i32>} : memref<128xf32, #tpu.memory_space<vmem>>, vector<16xf32>,
        %add3A_312 = arith.constant 96 : i32
        %add3A_313 = arith.addi %mul3A_239, %add3A_312 : i32
        %get3A_314 = arith.index_cast %add3A_313 : i32 to index
        %get3A_315 = tpu.vector_load %arg12[%get3A_314] {strides = array<i32>} : memref<24704xi32, #tpu.memory_space<vmem>>, vector<16xi32>,
        %swap3A_316 = arith.constant 96 : index
        %swap3A_317 = tpu.vector_load %arg14[%swap3A_316] {strides = array<i32>} : memref<128xi32, #tpu.memory_space<vmem>>, vector<16xi32>,
        tpu.vector_store %arg14[%swap3A_316], %get3A_315 {strides = array<i32>} : memref<128xi32, #tpu.memory_space<vmem>>, vector<16xi32>,
        %add3A_318 = arith.constant 96 : i32
        %add3A_319 = arith.addi %mul3A_239, %add3A_318 : i32
        %get3A_320 = arith.index_cast %add3A_319 : i32 to index
        %get3A_321 = tpu.vector_load %arg13[%get3A_320] {strides = array<i32>} : memref<24704xf32, #tpu.memory_space<vmem>>, vector<16xf32>,
        %swap3A_322 = arith.constant 96 : index
        %swap3A_323 = tpu.vector_load %arg15[%swap3A_322] {strides = array<i32>} : memref<128xf32, #tpu.memory_space<vmem>>, vector<16xf32>,
        tpu.vector_store %arg15[%swap3A_322], %get3A_321 {strides = array<i32>} : memref<128xf32, #tpu.memory_space<vmem>>, vector<16xf32>,
        %add3A_324 = arith.constant 112 : i32
        %add3A_325 = arith.addi %mul3A_239, %add3A_324 : i32
        %get3A_326 = arith.index_cast %add3A_325 : i32 to index
        %get3A_327 = tpu.vector_load %arg12[%get3A_326] {strides = array<i32>} : memref<24704xi32, #tpu.memory_space<vmem>>, vector<16xi32>,
        %swap3A_328 = arith.constant 112 : index
        %swap3A_329 = tpu.vector_load %arg14[%swap3A_328] {strides = array<i32>} : memref<128xi32, #tpu.memory_space<vmem>>, vector<16xi32>,
        tpu.vector_store %arg14[%swap3A_328], %get3A_327 {strides = array<i32>} : memref<128xi32, #tpu.memory_space<vmem>>, vector<16xi32>,
        %add3A_330 = arith.constant 112 : i32
        %add3A_331 = arith.addi %mul3A_239, %add3A_330 : i32
        %get3A_332 = arith.index_cast %add3A_331 : i32 to index
        %get3A_333 = tpu.vector_load %arg13[%get3A_332] {strides = array<i32>} : memref<24704xf32, #tpu.memory_space<vmem>>, vector<16xf32>,
        %swap3A_334 = arith.constant 112 : index
        %swap3A_335 = tpu.vector_load %arg15[%swap3A_334] {strides = array<i32>} : memref<128xf32, #tpu.memory_space<vmem>>, vector<16xf32>,
        tpu.vector_store %arg15[%swap3A_334], %get3A_333 {strides = array<i32>} : memref<128xf32, #tpu.memory_space<vmem>>, vector<16xf32>,
        %dma_start3A = arith.constant 0 : i32
        %dma_start3A_336 = tpu.memref_slice %arg6[%dma_start3A] : memref<100000000xf32, #tpu.memory_space<hbm>> -> memref<100000000xf32, #tpu.memory_space<hbm>>
        tpu.enqueue_indirect_dma source(%arg15 : memref<128xf32, #tpu.memory_space<vmem>>) target(%dma_start3A_336 : memref<100000000xf32, #tpu.memory_space<hbm>>) offsets(%arg14 : memref<128xi32, #tpu.memory_space<vmem>>) semaphore(%arg18 : memref<!tpu.dma_semaphore, #tpu.memory_space<semaphore_mem>>)
        %dma_wait3A = arith.constant 0 : i32
        %dma_wait3A_337 = tpu.memref_slice %arg6[%dma_wait3A] : memref<100000000xf32, #tpu.memory_space<hbm>> -> memref<100000000xf32, #tpu.memory_space<hbm>>
        tpu.wait_indirect_dma semaphore(%arg18 : memref<!tpu.dma_semaphore, #tpu.memory_space<semaphore_mem>>) src(%arg15 : memref<128xf32, #tpu.memory_space<vmem>>) dst(%dma_wait3A_337 : memref<100000000xf32, #tpu.memory_space<hbm>>)
        %while3A_338 = arith.constant 0 : i32
        scf.yield %while3A_338 : i32
      }
    } else {
    }
    return
  }
}

</mosaic_0001>

<sc_bundles>
// kernel: _scatter_call.3.cloned.1.call-start
scs
__scs_entry_jumppad:
0x0: {  	(pc) =	sbr.rel $0x88, $3  }
0x1: {  	(tag) =	ssettag $0x0;
	lr =	simm.s32 $0x1  }
0x2: {  	[smem:$0x3F9D] =	sst lr;
	_ =	strace $0xD0000000  }
0x3: {  	_ = 	snop  }
0x4: {  	_ = 	snop  }
0x5: {  	_ = 	snop  }
0x6: {  	_ = 	snop  }
0x7: {  	_ = 	snop  }
__scs_overlays_trampoline_lowered:
0x8: {  	[smem:$0x3FAC] =	sst s0  }
0x9: {  	[smem:$0x3FAD] =	sst s1  }
0xa: {  	[smem:$0x3FAE] =	sst s2  }
0xb: {  	[smem:$0x3FAF] =	sst s3  }
0xc: {  	[smem:$0x3FB0] =	sst s4  }
0xd: {  	[smem:$0x3FB1] =	sst s5  }
0xe: {  	[smem:$0x3FB2] =	sst s6  }
0xf: {  	[smem:$0x3FB3] =	sst s7  }
0x10: {  	[smem:$0x3FB4] =	sst s8  }
0x11: {  	[smem:$0x3FB5] =	sst s9;
	s0 =	simm.s32 @!p0 $0x0  }
0x12: {  	s1 =	sld [smem:$0x3F9B];
	s0 =	simm.s32 @p0 $0x1  }
0x13: {  	[smem:$0x3FB6] =	sst s0;
	s0 =	simm.s32 @!p1 $0x0  }
0x14: {  	s2 =	sld [smem:$0x3F9A];
	s0 =	simm.s32 @p1 $0x1  }
0x15: {  	[smem:$0x3FB7] =	sst s0;
	s0 =	simm.s32 @!p2 $0x0  }
0x16: {  	s3 =	sld [smem:$0x3FDB];
	s0 =	simm.s32 @p2 $0x1  }
0x17: {  	s4 =	simm.s32 $0x1BF5;
	[smem:$0x3FB9] =	sst s0  }
0x18: {  	s0 =	sld [smem:$0x3F9C];
	_ =	swait.ge [sflag:s4], $0x0  }
0x19: {  	s7 =	sld [smem:$0x3F9D]  }
0x1a: {  	s8 =	sadd.s32 $0xFFFFE003, lr  }
0x1b: {  	s9 =	sadd.s32 $0xFFFFFEF7, lr;
	s5 =	simm.s32 $0xFFFFFFFF;
	p2 =	slt.u32 s8, $0xFFFFF086  }
0x1c: {  	p1 =	slt.u32 s9, $0xF7A;
	s5 =	simm.s32 @!p2 $0x0  }
0x1d: {  	s5 =	simm.s32 @p1 $0x1;
	p0 =	seq.s32 s7, s2  }
0x1e: {  	s7 =	smul.u32 @!p0 $0xF7A, s2;
	p2 =	seq.s32 @!p0 s5, $0x0  }
0x1f: {  	s9 =	smul.u32 $0xF7A, s1;
	s8 =	simm.s32 @!p0 $0x1BF5;
	p2 =	por !p2, p0  }
0x20: {  	[sflag:s8] =	ssyncset.s32 @!p0 $0xFFFFF086;
	s6 =	sadd.s32 @!p0 s3, s7;
	s7 =	simm.s32 @!p0 $0x108  }
0x21: {  	s3 =	sadd.s32 s3, s9;
	s6 =	sadd.s32 @!p0 $0x88, s6;
	s7 =	simm.s32 @p2 $0x1082  }
0x22: {  	[simem:s7], [sflag:s8] =	dma.local @!p0 [hbm:s6], $0xF7A  }
0x23: {  	s9 =	sor.u32 $0xD0000000, s2;
	s6 =	simm.s32 $0x108;
	_ =	swait.ge @!p0 [sflag:s8], $0x0  }
0x24: {  	s3 =	sadd.s32 $0x88, s3;
	s6 =	simm.s32 @!p1 $0x1082;
	[sflag:s4] =	ssyncset.s32 $0xFFFFF086  }
0x25: {  	[simem:s6], [sflag:s4] =	dma.local [hbm:s3], $0xF7A  }
0x26: {  	[smem:$0x3F9D] =	sst s1;
	(tag) =	ssettag s2;
	_ =	strace s9  }
0x27: {  	s1 =	sld [smem:$0x3FAD]  }
0x28: {  	s2 =	sld [smem:$0x3FAE]  }
0x29: {  	s4 =	sld [smem:$0x3FB0]  }
0x2a: {  	p0 =	seq.s32 s5, $0x0;
	s5 =	sld [smem:$0x3FB1]  }
0x2b: {  	s6 =	sld [smem:$0x3FB2]  }
0x2c: {  	s7 =	sld [smem:$0x3FB3]  }
0x2d: {  	s3 =	simm.s32 $0x108;
	s8 =	sld [smem:$0x3FB4]  }
0x2e: {  	s3 =	simm.s32 @!p0 $0x1082;
	s9 =	sld [smem:$0x3FB5]  }
0x2f: {  	lr =	sadd.s32 s0, s3;
	s0 =	sld [smem:$0x3FAC]  }
0x30: {  	s3 =	sld [smem:$0x3FAF]  }
0x31: {  	[smem:$0x3FB8] =	sst s10  }
0x32: {  	s10 =	sld [smem:$0x3FB6];
	_ =	sdelay $0x3  }
0x33: {  	p0 =	seq.s32 s10, $0x1;
	s10 =	sld [smem:$0x3FB8];
	_ =	sdelay $0x3  }
0x34: {  	[smem:$0x3FB8] =	sst s10  }
0x35: {  	s10 =	sld [smem:$0x3FB7];
	_ =	sdelay $0x3  }
0x36: {  	p1 =	seq.s32 s10, $0x1;
	s10 =	sld [smem:$0x3FB8];
	_ =	sdelay $0x3  }
0x37: {  	[smem:$0x3FB8] =	sst s10  }
0x38: {  	s10 =	sld [smem:$0x3FB9]  }
0x39: {  	_ = 	snop;
	(pc) =	sbr.ind lr, $3  }
0x3a: {  	_ = 	snop  }
0x3b: {  	_ = 	snop  }
0x3c: {  	p2 =	seq.s32 s10, $0x1;
	s10 =	sld [smem:$0x3FB8]  }
0x3d: {  	_ =	shalt  }
0x3e: {  	_ =	shalt  }
0x3f: {  	_ =	shalt  }
0x40: {  	_ =	shalt  }
0x41: {  	_ =	shalt  }
0x42: {  	_ =	shalt  }
0x43: {  	_ =	shalt  }
0x44: {  	_ =	shalt  }
0x45: {  	_ =	shalt  }
0x46: {  	_ =	shalt  }
0x47: {  	_ =	shalt  }
0x48: {  	_ =	shalt  }
0x49: {  	_ =	shalt  }
0x4a: {  	_ =	shalt  }
0x4b: {  	_ =	shalt  }
0x4c: {  	_ =	shalt  }
0x4d: {  	_ =	shalt  }
0x4e: {  	_ =	shalt  }
0x4f: {  	_ =	shalt  }
0x50: {  	_ =	shalt  }
0x51: {  	_ =	shalt  }
0x52: {  	_ =	shalt  }
0x53: {  	_ =	shalt  }
0x54: {  	_ =	shalt  }
0x55: {  	_ =	shalt  }
0x56: {  	_ =	shalt  }
0x57: {  	_ =	shalt  }
0x58: {  	_ =	shalt  }
0x59: {  	_ =	shalt  }
0x5a: {  	_ =	shalt  }
0x5b: {  	_ =	shalt  }
0x5c: {  	_ =	shalt  }
0x5d: {  	_ =	shalt  }
0x5e: {  	_ =	shalt  }
0x5f: {  	_ =	shalt  }
0x60: {  	_ =	shalt  }
0x61: {  	_ =	shalt  }
0x62: {  	_ =	shalt  }
0x63: {  	_ =	shalt  }
0x64: {  	_ =	shalt  }
0x65: {  	_ =	shalt  }
0x66: {  	_ =	shalt  }
0x67: {  	_ =	shalt  }
0x68: {  	_ =	shalt  }
0x69: {  	_ =	shalt  }
0x6a: {  	_ =	shalt  }
0x6b: {  	_ =	shalt  }
0x6c: {  	_ =	shalt  }
0x6d: {  	_ =	shalt  }
0x6e: {  	_ =	shalt  }
0x6f: {  	_ =	shalt  }
0x70: {  	_ =	shalt  }
0x71: {  	_ =	shalt  }
0x72: {  	_ =	shalt  }
0x73: {  	_ =	shalt  }
0x74: {  	_ =	shalt  }
0x75: {  	_ =	shalt  }
0x76: {  	_ =	shalt  }
0x77: {  	_ =	shalt  }
0x78: {  	_ =	shalt  }
0x79: {  	_ =	shalt  }
0x7a: {  	_ =	shalt  }
0x7b: {  	_ =	shalt  }
0x7c: {  	_ =	shalt  }
0x7d: {  	_ =	shalt  }
0x7e: {  	_ =	shalt  }
0x7f: {  	_ =	shalt  }
0x80: {  	_ =	shalt  }
0x81: {  	_ =	shalt  }
0x82: {  	_ =	shalt  }
0x83: {  	_ =	shalt  }
0x84: {  	_ =	shalt  }
0x85: {  	_ =	shalt  }
0x86: {  	_ =	shalt  }
0x87: {  	_ =	shalt  }
.Lfunc_end0:
.L_simem_size_0:
called_computation_lowered:
.L_overlay_start_0:
0x88: {  	s2 =	sld [smem:$0x3FD9]  }
0x89: {  	s3 =	sld [smem:$0x3FFE];
	_ =	sdelay $0x1  }
0x8a: {  	s1 =	srdreg.scid  }
0x8b: {  	s0 =	sand.u32 $0x1, s1  }
0x8c: {  	s18 =	sshll.u32 s0, $0xA;
	s2 =	sadd.s32 s3, s2  }
0x8d: {  	s2 =	sadd.s32 s2, s18  }
0x8e: {  	[smem:$0x3FC4] =	sst s2  }
0x8f: {  	_ = 	snop  }
0x90: {  	s2 =	sld [smem:$0x3FC9]  }
0x91: {  	s19 =	sld [smem:$0x3FC8]  }
0x92: {  	s4 =	sld [smem:$0x3FC7]  }
0x93: {  	s5 =	sld [smem:$0x3FC6]  }
0x94: {  	s6 =	sld [smem:$0x3FD0];
	(tm) =	ssettm $0x1  }
0x95: {  	s7 =	sld [smem:$0x3FFB];
	_ =	sdelay $0x3  }
0x96: {  	_ =	strace s7  }
0x97: {  	s7 =	sld [smem:$0x3FFC];
	_ =	sdelay $0x3  }
0x98: {  	_ =	strace s7  }
0x99: {  	s7 =	sld [smem:$0x3FFD];
	_ =	sdelay $0x3  }
0x9a: {  	_ =	strace s7  }
0x9b: {  	_ =	strace $0x8FFFFFFF  }
0x9c: {  	s20 =	sld [smem:$0x3FDB];
	_ =	sdelay $0x1  }
0x9d: {  	s8 =	simm.s32 $_scs_section_size  }
0x9e: {  	s9 =	simm.s32 $_size__tile_overlayer_lowered;
	s10 =	simm.s32 $_tile_overlayer_lowered  }
0x9f: {  	s23 =	simm.s32 $0x1BFF;
	s22 =	sshll.u32 s10, $0x1;
	s7 =	sadd.s32 s8, s20  }
0xa0: {  	s11 =	simm.s32 $0x0;
	s21 =	sshll.u32 s9, $0x1;
	s9 =	sadd.s32 s22, s7  }
0xa1: {  	[timem:s11], [sflag:s23] =	dma.local [hbm:s9], s21  }
0xa2: {  	_ =	swait.ge [sflag:s23], s21  }
0xa3: {  	s8 =	ssub.s32 $0x0, s21;
	[sflag:s23] =	ssyncset.done $0x0  }
0xa4: {  	[sflag:s23] =	ssyncadd.s32 s8;
	_ =	sdelay $0x1  }
0xa5: {  	s24 =	simm.s32 $0x1B8B  }
0xa6: {  	_ =	swait.ge [sflag:s24], $0x1  }
0xa7: {  	[sflag:s24] =	ssyncset.done $0x0  }
0xa8: {  	s25 =	simm.s32 $0x1B8E;
	[sflag:s24] =	ssyncadd.s32 $0xFFFFFFFF  }
0xa9: {  	s26 =	simm.s32 $execute0_lowered;
	[smem:$0x3FD2] =	sst s25  }
0xaa: {  	s8 =	sshll.u32 s26, $0x1;
	_ =	strace $0x80000046;
	[dreg:$0x1] =	wrdreg $0xFFFFFFFF  }
0xab: {  	s28 =	simm.s32 $_size_execute0_lowered;
	s7 =	sadd.s32 s7, s8;
	[dreg:$0x0] =	wrdreg $0x0  }
0xac: {  	s8 =	sshll.u32 s28, $0x1;
	[dreg:$0x2] =	wrdreg s7  }
0xad: {  	[dreg:$0x3] =	wrdreg s8  }
0xae: {  	[dreg:$0x4] =	wrdreg $0xC0  }
0xaf: {  	_ =	task [dreg:s11], $0x5FFFF  }
0xb0: {  	[dreg:$0x1] =	wrdreg $0xFFFFFFFF  }
0xb1: {  	[dreg:$0x0] =	wrdreg $0x60  }
0xb2: {  	[dreg:$0x2] =	wrdreg s2  }
0xb3: {  	[dreg:$0x3] =	wrdreg s19  }
0xb4: {  	[dreg:$0x4] =	wrdreg s4  }
0xb5: {  	[dreg:$0x5] =	wrdreg s5  }
0xb6: {  	[dreg:$0x6] =	wrdreg s6  }
0xb7: {  	[dreg:$0x7] =	wrdreg $0x9  }
0xb8: {  	_ =	task.clear_ibuf [dreg:s11], $0x8FFFF;
	_ =	strace $0x90000046  }
0xb9: {  	s29 =	simm.s32 $0x9;
	_ =	strace $0x80000048  }
0xba: {  	_ =	swait.ge [sflag:s29], $0x1  }
0xbb: {  	[sflag:s29] =	ssyncadd.s32 $0xFFFFFFFF  }
0xbc: {  	_ =	strace $0x90000048  }
0xbd: {  	_ =	sfence  }
0xbe: {  	s30 =	sld [smem:$0x0];
	_ =	sdelay $0x2  }
0xbf: {  	s31 =	sshll.u32 s1, $0xD;
	s1 =	sshrl.u32 s1, $0x2  }
0xc0: {  	s3 =	sand.u32 $0x4000, s31;
	s1 =	sadd.s32 s1, s30  }
0xc1: {  	s0 =	sor.u32 s3, s0;
	s1 =	sshll.u32 s1, $0x11  }
0xc2: {  	s0 =	sor.u32 s1, s0  }
0xc3: {  	s0 =	sadd.s32 $0x8F2B, s0  }
0xc4: {  	[sflag:s0] =	ssyncadd.remote.s32 $0x1  }
0xc5: {  	_ =	sfence.sel $0xFFFF  }
0xc6: {  	[dreg:$0x0] =	wrdreg $0xFFFFFFFF;
	(pc) =	sbr.abs _section_cstart, $3  }
0xc7: {  	[dreg:$0x1] =	wrdreg $0xFFFFFFFF  }
0xc8: {  	_ =	task.clear_ibuf [dreg:s11], $0x2FFFF;
	_ =	strace $0x9FFFFFFF  }
0xc9: {  	(tm) =	ssettm $0x7FFFFFFF  }
tec
execute0_lowered:
.L_overlay_start_1:
0x0: {  	(tag) =	ssettag $0x1  }
0x1: {  	s1 =	srdreg.scid;
	s0 =	stileid.u32  }
0x2: {  	s3 =	sand.u32 $0x1, s1;
	s30 =	sshll.u32 s0, $0x1  }
0x3: {  	s5 =	sor.u32 s3, s30  }
0x4: {  	s6 =	rddreg [dreg:$0x4];
	s7 =	simm.s32 $0x0;
	s2 =	smul.u32 $0x139, s5  }
0x5: {  	s14 =	simm.s32 $0x4;
	s15 =	simm.s32 $0x3200;
	s16 =	simm.s32 $0x6400  }
0x6: {  	s17 =	simm.s32 $0x2;
	s20 =	simm.s32 $0x19800;
	s4 =	smin.u32 s2, $0x25D7  }
0x7: {  	s21 =	simm.s32 $0x3;
	s22 =	simm.s32 $0x1;
	s9 =	smul.u32 $0x2710, s4  }
0x8: {  	s23 =	simm.s32 $0x0;
	[smem:$0x7FF] =	sst s7;
	s18 =	smul.u32 $0x2FC290, s5  }
0x9: {  	s1 =	rddreg [dreg:$0x0];
	s31 =	smul.u32 $0x5F8520, s0;
	s19 =	sadd.s32 $0x2FC290, s9  }
0xa: {  	s12 =	ssub.s32 $0x2, s3;
	s3 =	smul.u32 $0x2FC290, s3;
	s8 =	ssub.s32 s19, s18  }
0xb: {  	s5 =	rddreg [dreg:$0x3];
	s13 =	sshrl.u32 s12, $0x1;
	s8 =	sadd.s32 $0x3FFF, s8  }
0xc: {  	s12 =	ssub.s32 s12, s13;
	s13 =	simm.s32 $0x9600;
	s10 =	sshra.s32 s8, $0x1F  }
.Ltmp0:
0xd: {  	s2 =	rddreg [dreg:$0x1];
	s11 =	sshrl.u32 s10, $0x12;
	(pc) =	sbr.rel .LBB2_1-.Ltmp0, $4  }
0xe: {  	s4 =	rddreg [dreg:$0x2];
	_ =	strace $0x80000047;
	s8 =	sadd.s32 s11, s8  }
0xf: {  	v0 =	vmov s18;
	s9 =	sadd.s32 $0x2F8290, s9;
	s18 =	simm.s32 $0x80;
	s8 =	sshra.s32 s8, $0xE  }
0x10: {  	v1 =	vmov s19;
	s19 =	simm.s32 $0x19780;
	s11 =	sadd.s32 s3, s31;
	s8 =	sadd.s32 s10, s8  }
0x11: {  	v2 =	vimm.f32 $0.0e+00;
	v3 =	vimm.s32 $0x0;
	v4 =	vlaneseq.u32;
	s10 =	smax.u32 s12, $0x1;
	s12 =	simm.s32 $0x9680;
	p0 =	slt.s32 s8, $0x1  }
.LBB2_26:
0x12: {  	[sflag:s21] =	ssyncadd.s32 $0xFFFFFF80  }
.LBB2_27:
0x13: {  	s23 =	sadd.s32 $0x1, s23  }
0x14: {  	p1 =	sne.s32 s23, s10  }
.Ltmp1:
0x15: {  	_ = 	snop;
	(pc) =	sbr.rel @!p1 .LBB2_28-.Ltmp1, $1  }
0x16: {  	_ =	sdelay $0x3  }
.LBB2_1:
0x17: {  	s3 =	simm.s32 $0x40;
	s24 =	simm.s32 $0x0  }
.LBB2_2:
0x18: {  	p1 =	sne.s32 s3, $0xFFC0;
	[tilespmem:s24+$0x9680] =	vst v2;
	s24 =	smov.u32 s3;
	s3 =	sadd.s32 $0x40, s3  }
.Ltmp2:
0x19: {  	(pc) =	sbr.rel @p1 .LBB2_2-.Ltmp2, $2  }
0x1a: {  	_ =	sdelay $0x2  }
0x1b: {  	s24 =	sshra.s32 s24, $0x2  }
.Ltmp3:
0x1c: {  	(pc) =	sbr.rel @p0 .LBB2_7-.Ltmp3, $2  }
0x1d: {  	_ =	sdelay $0x2  }
0x1e: {  	[tilespmem:s24+$0x9680] =	vst v2  }
0x1f: {  	p1 =	slt.s32 s11, s9;
	s3 =	smov.u32 s9  }
0x20: {  	s3 =	smov.u32 @p1 s11;
	p1 =	sne.s32 s8, $0x1  }
.Ltmp4:
0x21: {  	_ = 	snop;
	(pc) =	sbr.rel @!p1 .LBB2_6-.Ltmp4, $3  }
0x22: {  	_ =	sdelay $0x1  }
0x23: {  	s24 =	sshrl.u32 s3, $0x3  }
0x24: {  	s3 =	sadd.s32 $0xFFFFFFFF, s8;
	s25 =	sadd.s32 s6, s24;
	s24 =	sadd.s32 $0x4000, s11  }
.LBB2_5:
0x25: {  	[hbm4b:s25+s7] =	stream.linear.scatter [tilespmem:s12], [sflag:$0x1], $0x4000, $0x38;
	[tilespmem:$0x19880] =	vst v63  }
0x26: {  	p1 =	sne.s32 s3, $0x1  }
.Ltmp5:
0x27: {  	s3 =	sadd.s32 $0xFFFFFFFF, s3;
	(pc) =	sbr.rel @p1 .LBB2_5-.Ltmp5, $4  }
0x28: {  	p2 =	slt.s32 s24, s9;
	s25 =	smov.u32 s9  }
0x29: {  	s25 =	smov.u32 @p2 s24  }
0x2a: {  	s25 =	sshrl.u32 s25, $0x3  }
0x2b: {  	s24 =	sadd.s32 $0x4000, s24;
	s25 =	sadd.s32 s6, s25  }
.LBB2_6:
0x2c: {  	[hbm4b:s25+s7] =	stream.linear.scatter [tilespmem:s12], [sflag:$0x1], $0x4000, $0x38;
	[tilespmem:$0x19880] =	vst v63  }
.LBB2_7:
.Ltmp6:
0x2d: {  	s24 =	simm.s32 $0x0;
	(pc) =	sbr.rel .LBB2_8-.Ltmp6, $4  }
0x2e: {  	[tilespmem:s13], [sflag:$0x4] =	stream.linear.gather [hbm4b:s5+s24], $0x80, $0x38;
	[tilespmem:$0x19880] =	vst v63  }
0x2f: {  	_ =	swait.ge [sflag:s14], $0x80  }
0x30: {  	s25 =	simm.s32 $0x0;
	[sflag:s14] =	ssyncset.done $0x0  }
0x31: {  	s30 =	simm.s32 $0x0;
	s26 =	simm.s32 $0x0;
	[sflag:s14] =	ssyncadd.s32 $0xFFFFFF80  }
.LBB2_18:
0x32: {  	s26 =	sadd.s32 $0x1, s26  }
0x33: {  	p1 =	sne.s32 s26, $0x32  }
.Ltmp7:
0x34: {  	_ = 	snop;
	(pc) =	sbr.rel @!p1 .LBB2_19-.Ltmp7, $1  }
0x35: {  	_ =	sdelay $0x3  }
.LBB2_8:
0x36: {  	s3 =	smul.u32 $0x640, s26;
	_ =	sdelay $0x1  }
0x37: {  	s28 =	sadd.s32 s1, s3  }
0x38: {  	[tilespmem:s24], [sflag:$0x2] =	stream.linear.gather [hbm4b:s28+s24], $0x3200, $0x38;
	[tilespmem:$0x19880] =	vst v63  }
0x39: {  	s28 =	sadd.s32 s2, s3  }
0x3a: {  	[tilespmem:s15], [sflag:$0x2] =	stream.linear.gather [hbm4b:s28+s24], $0x3200, $0x38;
	[tilespmem:$0x19880] =	vst v63  }
0x3b: {  	s3 =	sadd.s32 s4, s3  }
0x3c: {  	[tilespmem:s16], [sflag:$0x2] =	stream.linear.gather [hbm4b:s3+s24], $0x3200, $0x38;
	[tilespmem:$0x19880] =	vst v63  }
0x3d: {  	_ =	swait.ge [sflag:s17], $0x3200  }
0x3e: {  	[sflag:s17] =	ssyncset.done $0x0  }
0x3f: {  	[sflag:s17] =	ssyncadd.s32 $0xFFFFCE00  }
0x40: {  	_ =	swait.ge [sflag:s17], $0x3200  }
.Ltmp8:
0x41: {  	[sflag:s17] =	ssyncset.done $0x0;
	(pc) =	sbr.rel .LBB2_9-.Ltmp8, $4  }
0x42: {  	[sflag:s17] =	ssyncadd.s32 $0xFFFFCE00  }
0x43: {  	_ =	swait.ge [sflag:s17], $0x3200  }
0x44: {  	[sflag:s17] =	ssyncset.done $0x0  }
0x45: {  	s28 =	simm.s32 $0x0;
	[sflag:s17] =	ssyncadd.s32 $0xFFFFCE00  }
.LBB2_16:
0x46: {  	[sflag:s21] =	ssyncadd.s32 $0xFFFFFF80;
	s3 =	sand.u32 $0x7FFFFF80, s29  }
0x47: {  	v5 =	vld [tilespmem:s3+$0xD680];
	_ =	sdelay $0x4  }
0x48: {  	[tilespmem:$0xD680] =	vst v5  }
0x49: {  	v5 =	vld [tilespmem:s3+$0x13700];
	_ =	sdelay $0x4  }
0x4a: {  	[tilespmem:$0x13700] =	vst v5  }
0x4b: {  	v5 =	vld [tilespmem:s3+$0xD690];
	_ =	sdelay $0x4  }
0x4c: {  	[tilespmem:$0xD690] =	vst v5  }
0x4d: {  	v5 =	vld [tilespmem:s3+$0x13710];
	_ =	sdelay $0x4  }
0x4e: {  	[tilespmem:$0x13710] =	vst v5  }
0x4f: {  	v5 =	vld [tilespmem:s3+$0xD6A0];
	_ =	sdelay $0x4  }
0x50: {  	[tilespmem:$0xD6A0] =	vst v5  }
0x51: {  	v5 =	vld [tilespmem:s3+$0x13720];
	_ =	sdelay $0x4  }
0x52: {  	[tilespmem:$0x13720] =	vst v5  }
0x53: {  	v5 =	vld [tilespmem:s3+$0xD6B0];
	_ =	sdelay $0x4  }
0x54: {  	[tilespmem:$0xD6B0] =	vst v5  }
0x55: {  	v5 =	vld [tilespmem:s3+$0x13730];
	_ =	sdelay $0x4  }
0x56: {  	[tilespmem:$0x13730] =	vst v5  }
0x57: {  	v5 =	vld [tilespmem:s3+$0xD6C0];
	_ =	sdelay $0x4  }
0x58: {  	[tilespmem:$0xD6C0] =	vst v5  }
0x59: {  	v5 =	vld [tilespmem:s3+$0x13740];
	_ =	sdelay $0x4  }
0x5a: {  	[tilespmem:$0x13740] =	vst v5  }
0x5b: {  	v5 =	vld [tilespmem:s3+$0xD6D0];
	_ =	sdelay $0x4  }
0x5c: {  	[tilespmem:$0xD6D0] =	vst v5  }
0x5d: {  	v5 =	vld [tilespmem:s3+$0x13750];
	_ =	sdelay $0x4  }
0x5e: {  	[tilespmem:$0x13750] =	vst v5  }
0x5f: {  	v5 =	vld [tilespmem:s3+$0xD6E0];
	_ =	sdelay $0x4  }
0x60: {  	[tilespmem:$0xD6E0] =	vst v5  }
0x61: {  	v5 =	vld [tilespmem:s3+$0x13760];
	_ =	sdelay $0x4  }
0x62: {  	[tilespmem:$0x13760] =	vst v5  }
0x63: {  	v5 =	vld [tilespmem:s3+$0xD6F0];
	_ =	sdelay $0x4  }
0x64: {  	[tilespmem:$0xD6F0] =	vst v5  }
0x65: {  	v5 =	vld [tilespmem:s3+$0x13770];
	_ =	sdelay $0x4  }
0x66: {  	s30 =	sand.u32 $0x7F, s29;
	[tilespmem:$0x13770] =	vst v5  }
.LBB2_17:
0x67: {  	s28 =	sadd.s32 $0x1, s28  }
0x68: {  	p2 =	sne.s32 s28, $0x320  }
.Ltmp9:
0x69: {  	_ = 	snop;
	(pc) =	sbr.rel @!p2 .LBB2_18-.Ltmp9, $3  }
0x6a: {  	_ =	sdelay $0x1  }
0x6b: {  	p1 =	sgt.s32 s29, $0x5FEF  }
0x6c: {  	s25 =	simm.s32 @p1 $0x1  }
.LBB2_9:
0x6d: {  	s3 =	sshll.u32 s28, $0x4  }
0x6e: {  	v5 =	vld [tilespmem:s3+$0x0];
	_ =	sdelay $0x1  }
0x6f: {  	v6 =	vld [tilespmem:s3+$0x3200];
	_ =	sdelay $0x2  }
0x70: {  	v5 =	vmul.u32 $0x2710, v5;
	_ =	sdelay $0x1  }
0x71: {  	v5 =	vadd.s32 v6, v5  }
0x72: {  	vm0 =	vge.s32 v5, v0;
	vm1 =	vlt.s32 v5, v1  }
0x73: {  	vm0 =	vmand vm0, vm1  }
0x74: {  	v6 =	vsel vm0, $0x1, v3  }
0x75: {  	(xrf0) =	vadd.scan.msk.s32 $0xffff, v6;
	_ =	sdelay $0x5  }
0x76: {  	v6, _, _ =	vpop (xrf0)  }
0x77: {  	(v2sf) =	vpush v6, $0xF;
	_ =	sdelay $0x4  }
0x78: {  	v7 =	vld [tilespmem:s3+$0x6400];
	_ =	sdelay $0x4  }
0x79: {  	vm15 =	vlt.s32 v7, $0x14  }
0x7a: {  	v6 =	vnsel vm15, $0x14, v7  }
0x7b: {  	v6 =	vadd.s32 $0xFFFFFFFF, v6;
	_ =	sdelay $0x2  }
0x7c: {  	s31 =	spop (v2sf)  }
0x7d: {  	s29 =	sadd.s32 s30, s31  }
0x7e: {  	v6 =	vld.idx.msk [tilespmem:v6+s13+$0x0], $0xffff;
	p1 =	slt.s32 s29, $0x5FF0  }
.Ltmp10:
0x7f: {  	_ = 	snop;
	(pc) =	sbr.rel @p1 .LBB2_17-.Ltmp10, $3  }
0x80: {  	_ =	sdelay $0x1  }
0x81: {  	[tilespmem:s30+$0xD680] =	vst.msk vm0, v5  }
0x82: {  	[tilespmem:s30+$0x13700] =	vst.msk vm0, v6;
	s30 =	smov.u32 s29  }
0x83: {  	p1 =	sne.s32 s25, $0x0  }
0x84: {  	p2 =	slt.s32 @!p1 s8, $0x1  }
0x85: {  	p1 =	por p1, p2  }
.Ltmp11:
0x86: {  	_ = 	snop;
	(pc) =	sbr.rel @p1 .LBB2_14-.Ltmp11, $1  }
0x87: {  	_ =	sdelay $0x3  }
0x88: {  	p1 =	sne.s32 s8, $0x1  }
.Ltmp12:
0x89: {  	_ = 	snop;
	(pc) =	sbr.rel @!p1 .LBB2_13-.Ltmp12, $3  }
0x8a: {  	_ =	sdelay $0x1  }
0x8b: {  	_ =	swait.ge [sflag:s22], $0x4000  }
0x8c: {  	s3 =	sadd.s32 $0xFFFFFFFF, s8;
	[sflag:s22] =	ssyncset.done $0x0  }
.LBB2_12:
0x8d: {  	p1 =	sne.s32 s3, $0x1;
	s3 =	sadd.s32 $0xFFFFFFFF, s3;
	[sflag:s22] =	ssyncadd.s32 $0xFFFFC000  }
.Ltmp13:
0x8e: {  	(pc) =	sbr.rel @p1 .LBB2_12-.Ltmp13, $3  }
0x8f: {  	_ =	sdelay $0x1  }
0x90: {  	_ =	swait.ge [sflag:s22], $0x4000  }
0x91: {  	[sflag:s22] =	ssyncset.done $0x0  }
.LBB2_13:
0x92: {  	[sflag:s22] =	ssyncadd.s32 $0xFFFFC000  }
.LBB2_14:
0x93: {  	s30 =	simm.s32 $0xD6C0  }
0x94: {  	v5 =	vld [tilespmem:s30+$0xFFFFFFC0];
	_ =	sdelay $0x4  }
0x95: {  	s31 =	simm.s32 $0x13740;
	[tilespmem:$0x19780] =	vst v5  }
0x96: {  	v5 =	vld [tilespmem:s31+$0xFFFFFFC0];
	_ =	sdelay $0x4  }
0x97: {  	[tilespmem:$0x19800] =	vst v5  }
0x98: {  	v5 =	vld [tilespmem:s30+$0xFFFFFFD0];
	_ =	sdelay $0x4  }
0x99: {  	[tilespmem:$0x19790] =	vst v5  }
0x9a: {  	v5 =	vld [tilespmem:s31+$0xFFFFFFD0];
	_ =	sdelay $0x4  }
0x9b: {  	[tilespmem:$0x19810] =	vst v5  }
0x9c: {  	v5 =	vld [tilespmem:s30+$0xFFFFFFE0];
	_ =	sdelay $0x4  }
0x9d: {  	[tilespmem:$0x197A0] =	vst v5  }
0x9e: {  	v5 =	vld [tilespmem:s31+$0xFFFFFFE0];
	_ =	sdelay $0x4  }
0x9f: {  	[tilespmem:$0x19820] =	vst v5  }
0xa0: {  	v5 =	vld [tilespmem:s30+$0xFFFFFFF0];
	_ =	sdelay $0x4  }
0xa1: {  	[tilespmem:$0x197B0] =	vst v5  }
0xa2: {  	v5 =	vld [tilespmem:s31+$0xFFFFFFF0];
	_ =	sdelay $0x4  }
0xa3: {  	[tilespmem:$0x19830] =	vst v5  }
0xa4: {  	v5 =	vld [tilespmem:s30+$0x0];
	_ =	sdelay $0x4  }
0xa5: {  	[tilespmem:$0x197C0] =	vst v5  }
0xa6: {  	v5 =	vld [tilespmem:s31+$0x0];
	_ =	sdelay $0x4  }
0xa7: {  	[tilespmem:$0x19840] =	vst v5  }
0xa8: {  	v5 =	vld [tilespmem:s30+$0x10];
	_ =	sdelay $0x4  }
0xa9: {  	[tilespmem:$0x197D0] =	vst v5  }
0xaa: {  	v5 =	vld [tilespmem:s31+$0x10];
	_ =	sdelay $0x4  }
0xab: {  	[tilespmem:$0x19850] =	vst v5  }
0xac: {  	v5 =	vld [tilespmem:s30+$0x20];
	_ =	sdelay $0x4  }
0xad: {  	[tilespmem:$0x197E0] =	vst v5  }
0xae: {  	v5 =	vld [tilespmem:s31+$0x20];
	_ =	sdelay $0x4  }
0xaf: {  	[tilespmem:$0x19860] =	vst v5  }
0xb0: {  	v5 =	vld [tilespmem:s30+$0x30];
	_ =	sdelay $0x4  }
0xb1: {  	[tilespmem:$0x197F0] =	vst v5  }
0xb2: {  	v5 =	vld [tilespmem:s31+$0x30];
	_ =	sdelay $0x1  }
0xb3: {  	s3 =	sshrl.u32 s29, $0x7  }
0xb4: {  	p1 =	sne.s32 s3, $0x1  }
.Ltmp14:
0xb5: {  	_ = 	snop;
	(pc) =	sbr.rel @!p1 .LBB2_16-.Ltmp14, $4  }
0xb6: {  	[tilespmem:$0x19870] =	vst v5  }
0xb7: {  	[hbm4b:s6+s18] =	stream.indirect.scatter [tilespmem:s20], [sflag:$0x3], $0x1, s19, s18, $0xb8;
	[tilespmem:$0x19880] =	vst v63  }
0xb8: {  	_ =	swait.ge [sflag:s21], $0x80  }
0xb9: {  	s3 =	sadd.s32 $0xFFFFFFFF, s3;
	[sflag:s21] =	ssyncset.done $0x0  }
.LBB2_15:
0xba: {  	[sflag:s21] =	ssyncadd.s32 $0xFFFFFF80;
	s30 =	sadd.s32 $0x80, s30;
	s31 =	sadd.s32 $0x80, s31  }
0xbb: {  	p1 =	sne.s32 s3, $0x1;
	s3 =	sadd.s32 $0xFFFFFFFF, s3;
	v5 =	vld [tilespmem:s30+$0xFFFFFFC0];
	_ =	sdelay $0x4  }
0xbc: {  	[tilespmem:$0x19780] =	vst v5  }
0xbd: {  	v5 =	vld [tilespmem:s31+$0xFFFFFFC0];
	_ =	sdelay $0x4  }
0xbe: {  	[tilespmem:$0x19800] =	vst v5  }
0xbf: {  	v5 =	vld [tilespmem:s30+$0xFFFFFFD0];
	_ =	sdelay $0x4  }
0xc0: {  	[tilespmem:$0x19790] =	vst v5  }
0xc1: {  	v5 =	vld [tilespmem:s31+$0xFFFFFFD0];
	_ =	sdelay $0x4  }
0xc2: {  	[tilespmem:$0x19810] =	vst v5  }
0xc3: {  	v5 =	vld [tilespmem:s30+$0xFFFFFFE0];
	_ =	sdelay $0x4  }
0xc4: {  	[tilespmem:$0x197A0] =	vst v5  }
0xc5: {  	v5 =	vld [tilespmem:s31+$0xFFFFFFE0];
	_ =	sdelay $0x4  }
0xc6: {  	[tilespmem:$0x19820] =	vst v5  }
0xc7: {  	v5 =	vld [tilespmem:s30+$0xFFFFFFF0];
	_ =	sdelay $0x4  }
0xc8: {  	[tilespmem:$0x197B0] =	vst v5  }
0xc9: {  	v5 =	vld [tilespmem:s31+$0xFFFFFFF0];
	_ =	sdelay $0x4  }
0xca: {  	[tilespmem:$0x19830] =	vst v5  }
0xcb: {  	v5 =	vld [tilespmem:s30+$0x0];
	_ =	sdelay $0x4  }
0xcc: {  	[tilespmem:$0x197C0] =	vst v5  }
0xcd: {  	v5 =	vld [tilespmem:s31+$0x0];
	_ =	sdelay $0x4  }
0xce: {  	[tilespmem:$0x19840] =	vst v5  }
0xcf: {  	v5 =	vld [tilespmem:s30+$0x10];
	_ =	sdelay $0x4  }
0xd0: {  	[tilespmem:$0x197D0] =	vst v5  }
0xd1: {  	v5 =	vld [tilespmem:s31+$0x10];
	_ =	sdelay $0x4  }
0xd2: {  	[tilespmem:$0x19850] =	vst v5  }
0xd3: {  	v5 =	vld [tilespmem:s30+$0x20];
	_ =	sdelay $0x4  }
0xd4: {  	[tilespmem:$0x197E0] =	vst v5  }
0xd5: {  	v5 =	vld [tilespmem:s31+$0x20];
	_ =	sdelay $0x4  }
0xd6: {  	[tilespmem:$0x19860] =	vst v5  }
0xd7: {  	v5 =	vld [tilespmem:s30+$0x30];
	_ =	sdelay $0x4  }
0xd8: {  	[tilespmem:$0x197F0] =	vst v5  }
0xd9: {  	v5 =	vld [tilespmem:s31+$0x30];
	_ =	sdelay $0x3  }
.Ltmp15:
0xda: {  	(pc) =	sbr.rel @p1 .LBB2_15-.Ltmp15, $4  }
0xdb: {  	[tilespmem:$0x19870] =	vst v5  }
0xdc: {  	[hbm4b:s6+s18] =	stream.indirect.scatter [tilespmem:s20], [sflag:$0x3], $0x1, s19, s18, $0xb8;
	[tilespmem:$0x19880] =	vst v63  }
0xdd: {  	_ =	swait.ge [sflag:s21], $0x80  }
0xde: {  	[sflag:s21] =	ssyncset.done $0x0  }
.Ltmp16:
0xdf: {  	_ = 	snop;
	(pc) =	sbr.rel .LBB2_16-.Ltmp16, $1  }
0xe0: {  	_ =	sdelay $0x3  }
.LBB2_19:
0xe1: {  	p1 =	sne.s32 s25, $0x0  }
0xe2: {  	p2 =	slt.s32 @!p1 s8, $0x1  }
0xe3: {  	p1 =	por p1, p2  }
.Ltmp17:
0xe4: {  	_ = 	snop;
	(pc) =	sbr.rel @p1 .LBB2_23-.Ltmp17, $1  }
0xe5: {  	_ =	sdelay $0x3  }
0xe6: {  	p1 =	sne.s32 s8, $0x1  }
.Ltmp18:
0xe7: {  	_ = 	snop;
	(pc) =	sbr.rel @!p1 .LBB2_22-.Ltmp18, $3  }
0xe8: {  	_ =	sdelay $0x1  }
0xe9: {  	_ =	swait.ge [sflag:s22], $0x4000  }
0xea: {  	s3 =	sadd.s32 $0xFFFFFFFF, s8;
	[sflag:s22] =	ssyncset.done $0x0  }
.LBB2_21:
0xeb: {  	p1 =	sne.s32 s3, $0x1;
	s3 =	sadd.s32 $0xFFFFFFFF, s3;
	[sflag:s22] =	ssyncadd.s32 $0xFFFFC000  }
.Ltmp19:
0xec: {  	(pc) =	sbr.rel @p1 .LBB2_21-.Ltmp19, $3  }
0xed: {  	_ =	sdelay $0x1  }
0xee: {  	_ =	swait.ge [sflag:s22], $0x4000  }
0xef: {  	[sflag:s22] =	ssyncset.done $0x0  }
.LBB2_22:
0xf0: {  	[sflag:s22] =	ssyncadd.s32 $0xFFFFC000  }
.LBB2_23:
0xf1: {  	p1 =	slt.s32 s30, $0x1  }
.Ltmp20:
0xf2: {  	_ = 	snop;
	(pc) =	sbr.rel @p1 .LBB2_27-.Ltmp20, $1  }
0xf3: {  	_ =	sdelay $0x3  }
0xf4: {  	s3 =	sadd.s32 $0xFFFFFFFF, s30  }
0xf5: {  	s24 =	sand.u32 $0xFFFFFFF0, s3  }
0xf6: {  	v5 =	vld [tilespmem:s24+$0x13700]  }
0xf7: {  	v7 =	vld [tilespmem:s24+$0xD680]  }
0xf8: {  	s3 =	sand.u32 $0xF, s3  }
0xf9: {  	v6 =	vmov s3  }
0xfa: {  	vm0 =	veq.s32 v6, v4  }
0xfb: {  	v5 =	vnsel vm0, $0x0, v5  }
0xfc: {  	(xrf2) =	vadd.scan.msk.f32 $0xffff, v5;
	v5 =	vnsel vm0, $0x0, v7  }
0xfd: {  	(xrf0) =	vadd.scan.msk.s32 $0xffff, v5;
	_ =	sdelay $0x5  }
0xfe: {  	v5, _, _ =	vpop (xrf0)  }
0xff: {  	v5 =	vbroadcast v5, $0xF;
	_ =	sdelay $0x1  }
0x100: {  	[tilespmem:s30+$0xD680] =	vst v5  }
0x101: {  	[tilespmem:s30+$0xD690] =	vst v5  }
0x102: {  	[tilespmem:s30+$0xD6A0] =	vst v5  }
0x103: {  	[tilespmem:s30+$0xD6B0] =	vst v5  }
0x104: {  	[tilespmem:s30+$0xD6C0] =	vst v5  }
0x105: {  	v6, _, _ =	vpop (xrf2);
	[tilespmem:s30+$0xD6D0] =	vst v5  }
0x106: {  	[tilespmem:s30+$0xD6E0] =	vst v5;
	v6 =	vbroadcast v6, $0xF  }
0x107: {  	[tilespmem:s30+$0xD6F0] =	vst v5  }
0x108: {  	[tilespmem:s30+$0x13700] =	vst v6  }
0x109: {  	[tilespmem:s30+$0x13710] =	vst v6  }
0x10a: {  	[tilespmem:s30+$0x13720] =	vst v6  }
0x10b: {  	[tilespmem:s30+$0x13730] =	vst v6  }
0x10c: {  	[tilespmem:s30+$0x13740] =	vst v6  }
0x10d: {  	[tilespmem:s30+$0x13750] =	vst v6  }
0x10e: {  	[tilespmem:s30+$0x13760] =	vst v6  }
0x10f: {  	s24 =	simm.s32 $0xD6C0;
	[tilespmem:s30+$0x13770] =	vst v6  }
0x110: {  	v5 =	vld [tilespmem:s24+$0xFFFFFFC0];
	_ =	sdelay $0x4  }
0x111: {  	s25 =	simm.s32 $0x13740;
	[tilespmem:$0x19780] =	vst v5  }
0x112: {  	v5 =	vld [tilespmem:s25+$0xFFFFFFC0];
	_ =	sdelay $0x4  }
0x113: {  	[tilespmem:$0x19800] =	vst v5  }
0x114: {  	v5 =	vld [tilespmem:s24+$0xFFFFFFD0];
	_ =	sdelay $0x4  }
0x115: {  	[tilespmem:$0x19790] =	vst v5  }
0x116: {  	v5 =	vld [tilespmem:s25+$0xFFFFFFD0];
	_ =	sdelay $0x4  }
0x117: {  	[tilespmem:$0x19810] =	vst v5  }
0x118: {  	v5 =	vld [tilespmem:s24+$0xFFFFFFE0];
	_ =	sdelay $0x4  }
0x119: {  	[tilespmem:$0x197A0] =	vst v5  }
0x11a: {  	v5 =	vld [tilespmem:s25+$0xFFFFFFE0];
	_ =	sdelay $0x4  }
0x11b: {  	[tilespmem:$0x19820] =	vst v5  }
0x11c: {  	v5 =	vld [tilespmem:s24+$0xFFFFFFF0];
	_ =	sdelay $0x4  }
0x11d: {  	[tilespmem:$0x197B0] =	vst v5  }
0x11e: {  	v5 =	vld [tilespmem:s25+$0xFFFFFFF0];
	_ =	sdelay $0x4  }
0x11f: {  	[tilespmem:$0x19830] =	vst v5  }
0x120: {  	v5 =	vld [tilespmem:s24+$0x0];
	_ =	sdelay $0x4  }
0x121: {  	[tilespmem:$0x197C0] =	vst v5  }
0x122: {  	v5 =	vld [tilespmem:s25+$0x0];
	_ =	sdelay $0x4  }
0x123: {  	[tilespmem:$0x19840] =	vst v5  }
0x124: {  	v5 =	vld [tilespmem:s24+$0x10];
	_ =	sdelay $0x4  }
0x125: {  	[tilespmem:$0x197D0] =	vst v5  }
0x126: {  	v5 =	vld [tilespmem:s25+$0x10];
	_ =	sdelay $0x4  }
0x127: {  	[tilespmem:$0x19850] =	vst v5  }
0x128: {  	v5 =	vld [tilespmem:s24+$0x20];
	_ =	sdelay $0x4  }
0x129: {  	[tilespmem:$0x197E0] =	vst v5  }
0x12a: {  	v5 =	vld [tilespmem:s25+$0x20];
	_ =	sdelay $0x4  }
0x12b: {  	[tilespmem:$0x19860] =	vst v5  }
0x12c: {  	v5 =	vld [tilespmem:s24+$0x30];
	_ =	sdelay $0x4  }
0x12d: {  	[tilespmem:$0x197F0] =	vst v5  }
0x12e: {  	v5 =	vld [tilespmem:s25+$0x30]  }
0x12f: {  	s31 =	sadd.s32 $0x7F, s30  }
0x130: {  	s3 =	sshrl.u32 s31, $0x7  }
0x131: {  	p1 =	sne.s32 s3, $0x1  }
.Ltmp21:
0x132: {  	_ = 	snop;
	(pc) =	sbr.rel @!p1 .LBB2_26-.Ltmp21, $4  }
0x133: {  	[tilespmem:$0x19870] =	vst v5  }
0x134: {  	[hbm4b:s6+s18] =	stream.indirect.scatter [tilespmem:s20], [sflag:$0x3], $0x1, s19, s18, $0xb8;
	[tilespmem:$0x19880] =	vst v63  }
0x135: {  	_ =	swait.ge [sflag:s21], $0x80  }
0x136: {  	s3 =	sadd.s32 $0xFFFFFFFF, s3;
	[sflag:s21] =	ssyncset.done $0x0  }
.LBB2_25:
0x137: {  	[sflag:s21] =	ssyncadd.s32 $0xFFFFFF80;
	s24 =	sadd.s32 $0x80, s24;
	s25 =	sadd.s32 $0x80, s25  }
0x138: {  	p1 =	sne.s32 s3, $0x1;
	s3 =	sadd.s32 $0xFFFFFFFF, s3;
	v5 =	vld [tilespmem:s24+$0xFFFFFFC0];
	_ =	sdelay $0x4  }
0x139: {  	[tilespmem:$0x19780] =	vst v5  }
0x13a: {  	v5 =	vld [tilespmem:s25+$0xFFFFFFC0];
	_ =	sdelay $0x4  }
0x13b: {  	[tilespmem:$0x19800] =	vst v5  }
0x13c: {  	v5 =	vld [tilespmem:s24+$0xFFFFFFD0];
	_ =	sdelay $0x4  }
0x13d: {  	[tilespmem:$0x19790] =	vst v5  }
0x13e: {  	v5 =	vld [tilespmem:s25+$0xFFFFFFD0];
	_ =	sdelay $0x4  }
0x13f: {  	[tilespmem:$0x19810] =	vst v5  }
0x140: {  	v5 =	vld [tilespmem:s24+$0xFFFFFFE0];
	_ =	sdelay $0x4  }
0x141: {  	[tilespmem:$0x197A0] =	vst v5  }
0x142: {  	v5 =	vld [tilespmem:s25+$0xFFFFFFE0];
	_ =	sdelay $0x4  }
0x143: {  	[tilespmem:$0x19820] =	vst v5  }
0x144: {  	v5 =	vld [tilespmem:s24+$0xFFFFFFF0];
	_ =	sdelay $0x4  }
0x145: {  	[tilespmem:$0x197B0] =	vst v5  }
0x146: {  	v5 =	vld [tilespmem:s25+$0xFFFFFFF0];
	_ =	sdelay $0x4  }
0x147: {  	[tilespmem:$0x19830] =	vst v5  }
0x148: {  	v5 =	vld [tilespmem:s24+$0x0];
	_ =	sdelay $0x4  }
0x149: {  	[tilespmem:$0x197C0] =	vst v5  }
0x14a: {  	v5 =	vld [tilespmem:s25+$0x0];
	_ =	sdelay $0x4  }
0x14b: {  	[tilespmem:$0x19840] =	vst v5  }
0x14c: {  	v5 =	vld [tilespmem:s24+$0x10];
	_ =	sdelay $0x4  }
0x14d: {  	[tilespmem:$0x197D0] =	vst v5  }
0x14e: {  	v5 =	vld [tilespmem:s25+$0x10];
	_ =	sdelay $0x4  }
0x14f: {  	[tilespmem:$0x19850] =	vst v5  }
0x150: {  	v5 =	vld [tilespmem:s24+$0x20];
	_ =	sdelay $0x4  }
0x151: {  	[tilespmem:$0x197E0] =	vst v5  }
0x152: {  	v5 =	vld [tilespmem:s25+$0x20];
	_ =	sdelay $0x4  }
0x153: {  	[tilespmem:$0x19860] =	vst v5  }
0x154: {  	v5 =	vld [tilespmem:s24+$0x30];
	_ =	sdelay $0x4  }
0x155: {  	[tilespmem:$0x197F0] =	vst v5  }
0x156: {  	v5 =	vld [tilespmem:s25+$0x30];
	_ =	sdelay $0x3  }
.Ltmp22:
0x157: {  	(pc) =	sbr.rel @p1 .LBB2_25-.Ltmp22, $4  }
0x158: {  	[tilespmem:$0x19870] =	vst v5  }
0x159: {  	[hbm4b:s6+s18] =	stream.indirect.scatter [tilespmem:s20], [sflag:$0x3], $0x1, s19, s18, $0xb8;
	[tilespmem:$0x19880] =	vst v63  }
0x15a: {  	_ =	swait.ge [sflag:s21], $0x80  }
0x15b: {  	[sflag:s21] =	ssyncset.done $0x0  }
.Ltmp23:
0x15c: {  	_ = 	snop;
	(pc) =	sbr.rel .LBB2_26-.Ltmp23, $1  }
0x15d: {  	_ =	sdelay $0x3  }
.LBB2_28:
0x15e: {  	_ =	sfence.sel $0x180000  }
0x15f: {  	[bflag:$0x0] =	sbarrier.arrive $0xFFFF  }
0x160: {  	_ =	strace $0x90000047  }
0x161: {  	[bflag:$0x2] =	sbarrier.arrive $0xFFFF  }
0x162: {  	p0 =	sne.s32 s0, $0x0;
	s0 =	rddreg [dreg:$0x5]  }
0x163: {  	s0 =	sadd.s32 @!p0 $0x100000, s0  }
0x164: {  	[sflag:s0] =	ssyncadd.tile.s32 @!p0 $0x1;
	_ =	shalt  }
.Lfunc_end2:
_tile_overlayer_lowered:
.L_overlay_start_2:
0x165: {  	(tag) =	ssettag $0x2  }
0x166: {  	s0 =	rddreg [dreg:$0x0];
	s2 =	stileid.u32  }
0x167: {  	s1 =	rddreg [dreg:$0x1];
	p0 =	sne.s32 s2, $0x0  }
0x168: {  	s3 =	rddreg [dreg:$0x2];
	[bflag:$0x3] =	sbarrier.arrive $0xFFFF;
	s2 =	simm.s32 @!p0 $0x1C04  }
0x169: {  	[timem:s3], [sflag:s2] =	dma.local @!p0 [hbm:s0], s1  }
0x16a: {  	s0 =	simm.s32 @!p0 $0x4  }
0x16b: {  	_ =	swait.ge @!p0 [sflag:s0], s1  }
0x16c: {  	s1 =	ssub.s32 @!p0 $0x0, s1;
	[sflag:s0] =	ssyncset.done @!p0 $0x0  }
0x16d: {  	[sflag:s0] =	ssyncadd.s32 @!p0 s1  }
0x16e: {  	[bflag:$0x3] =	sbarrier.arrive $0xFFFF  }
0x16f: {  	_ =	shalt  }

</sc_bundles>
